<compile_context>
chip_gen: v7x
topology: tpu7x:2x2x1
jax: 0.10.2.dev20260603
libtpu: 0.0.44.dev20260713+nightly
codegen_flags: <defaults>
</compile_context>

<pallas_src>
import functools

import jax
import jax.numpy as jnp
import numpy as np
from jax import lax
from jax.experimental import pallas as pl
from jax.experimental.pallas import tpu as pltpu
from jax.experimental.pallas import tpu_sc as plsc

B = 4
C = 3
HW = 224
P = 16
NP = (HW // P) ** 2
D_VIS = 768
D_MODEL = 1024
N_HEADS = 16
HD = D_MODEL // N_HEADS
VOCAB = 32000
PROMPT_LEN = 3
T = 1 + NP + 1 + PROMPT_LEN
TP = 208
CPP = C * P * P
PPC = P * P

VT = 3200
NV = VOCAB // VT

_PREC = jax.lax.Precision.DEFAULT


def _ln(x):
    mu = jnp.mean(x, axis=-1, keepdims=True)
    var = jnp.mean((x - mu) ** 2, axis=-1, keepdims=True)
    return (x - mu) * jax.lax.rsqrt(var + 1e-5)


def _sc_gather(table, idx):
    mesh = plsc.VectorSubcoreMesh(core_axis_name="c", subcore_axis_name="s")

    @functools.partial(
        pl.kernel, mesh=mesh,
        out_type=jax.ShapeDtypeStruct((8, D_MODEL), jnp.float32),
        scratch_types=[
            pltpu.VMEM((8,), jnp.int32),
            pltpu.VMEM((8, D_MODEL), jnp.float32),
            pltpu.SemaphoreType.DMA,
        ],
    )
    def k(table_hbm, idx_hbm, out_hbm, idx_v, rows_v, sem):
        wid = lax.axis_index("s") * 2 + lax.axis_index("c")

        @pl.when(wid == 0)
        def _():
            pltpu.sync_copy(idx_hbm, idx_v)
            pltpu.async_copy(table_hbm.at[idx_v], rows_v, sem).wait()
            pltpu.sync_copy(rows_v, out_hbm)

    return k(table, idx)


def _block_body(p_ref, emb_ref, wp_ref, wt_ref, wqkv_ref, wo_ref,
                w1_ref, w2_ref, out_ref):
    p = p_ref[0].astype(jnp.float32)
    acc = jnp.zeros((NP, D_VIS), jnp.float32)
    for c in range(C):
        pc = p[:, c * PPC:(c + 1) * PPC]
        mu = jnp.mean(pc)
        var = jnp.mean((pc - mu) ** 2)
        inv = 1.0 / (jnp.sqrt(var) + 1e-6)
        pcn = (pc - mu) * inv
        acc = acc + jax.lax.dot(pcn, wp_ref[c * PPC:(c + 1) * PPC, :],
                                precision=_PREC)
    vis = jax.lax.dot(acc, wt_ref[...], precision=_PREC)

    emb = emb_ref[...]
    x = jnp.concatenate(
        [emb[0:1], vis, emb[1:2], emb[2:2 + PROMPT_LEN],
         jnp.zeros((TP - T, D_MODEL), jnp.float32)], axis=0)

    h = _ln(x)
    qkv = jax.lax.dot(h, wqkv_ref[...], precision=_PREC)
    rows = jax.lax.broadcasted_iota(jnp.int32, (TP, TP), 0)
    cols = jax.lax.broadcasted_iota(jnp.int32, (TP, TP), 1)
    causal = rows >= cols
    outs = []
    for hh in range(N_HEADS):
        q = qkv[:, hh * HD:(hh + 1) * HD]
        k = qkv[:, D_MODEL + hh * HD:D_MODEL + (hh + 1) * HD]
        v = qkv[:, 2 * D_MODEL + hh * HD:2 * D_MODEL + (hh + 1) * HD]
        att = jax.lax.dot_general(q, k, (((1,), (1,)), ((), ())),
                                  precision=_PREC) * (1.0 / np.sqrt(HD))
        att = jnp.where(causal, att, jnp.float32(-1e30))
        att = jax.nn.softmax(att, axis=-1)
        outs.append(jax.lax.dot(att, v, precision=_PREC))
    o = jnp.concatenate(outs, axis=1)
    x = x + jax.lax.dot(o, wo_ref[...], precision=_PREC)

    h2 = _ln(x)
    g = jax.nn.gelu(jax.lax.dot(h2, w1_ref[...], precision=_PREC))
    xf = x + jax.lax.dot(g, w2_ref[...], precision=_PREC)
    out_ref[...] = xf.astype(jnp.bfloat16)


def _block(patches, emb, W_patch, W_tok, Wqkv, Wo, W1, W2):
    return pl.pallas_call(
        _block_body,
        grid=(B,),
        in_specs=[
            pl.BlockSpec((1, NP, CPP), lambda b: (b, 0, 0)),
            pl.BlockSpec((8, D_MODEL), lambda b: (0, 0)),
            pl.BlockSpec((CPP, D_VIS), lambda b: (0, 0)),
            pl.BlockSpec((D_VIS, D_MODEL), lambda b: (0, 0)),
            pl.BlockSpec((D_MODEL, 3 * D_MODEL), lambda b: (0, 0)),
            pl.BlockSpec((D_MODEL, D_MODEL), lambda b: (0, 0)),
            pl.BlockSpec((D_MODEL, 4 * D_MODEL), lambda b: (0, 0)),
            pl.BlockSpec((4 * D_MODEL, D_MODEL), lambda b: (0, 0)),
        ],
        out_specs=pl.BlockSpec((TP, D_MODEL), lambda b: (b, 0)),
        out_shape=jax.ShapeDtypeStruct((B * TP, D_MODEL), jnp.bfloat16),
        compiler_params=pltpu.CompilerParams(
            vmem_limit_bytes=100 * 1024 * 1024),
    )(patches, emb, W_patch, W_tok, Wqkv, Wo, W1, W2)


def _head_body(labels_ref, h_ref, w_ref, logits_ref, loss_ref,
               m_sc, s_sc, lab_sc):
    v = pl.program_id(0)
    h = h_ref[...]
    logits = jax.lax.dot_general(
        h, w_ref[...].astype(jnp.bfloat16), (((1,), (0,)), ((), ())),
        preferred_element_type=jnp.float32)
    lane = jax.lax.broadcasted_iota(jnp.int32, (VT,), 0)
    for b in range(B):
        logits_ref[b] = logits[b * TP:b * TP + T]
        last = logits[b * TP + T - 1, :]
        tmax = jnp.max(last)

        lab = labels_ref[b]
        local = lab - v * VT
        in_tile = (local >= 0) & (local < VT)
        contrib = jnp.sum(jnp.where(lane == local, last, 0.0))
        contrib = jnp.where(in_tile, contrib, 0.0)

        @pl.when(v == 0)
        def _init():
            m_sc[b] = tmax
            s_sc[b] = jnp.sum(jnp.exp(last - tmax))
            lab_sc[b] = contrib

        @pl.when(v > 0)
        def _update():
            m_old = m_sc[b]
            m_new = jnp.maximum(m_old, tmax)
            m_sc[b] = m_new
            s_sc[b] = (s_sc[b] * jnp.exp(m_old - m_new)
                       + jnp.sum(jnp.exp(last - m_new)))
            lab_sc[b] = lab_sc[b] + contrib

    @pl.when(v == NV - 1)
    def _finish():
        acc = jnp.float32(0.0)
        for bb in range(B):
            acc = acc + (jnp.log(s_sc[bb]) + m_sc[bb] - lab_sc[bb])
        loss_ref[0, 0] = acc / B


def _head(labels, h, W_head):
    return pl.pallas_call(
        _head_body,
        grid=(NV,),
        in_specs=[
            pl.BlockSpec(memory_space=pltpu.SMEM),
            pl.BlockSpec((B * TP, D_MODEL), lambda v: (0, 0)),
            pl.BlockSpec((D_MODEL, VT), lambda v: (0, v)),
        ],
        out_specs=[
            pl.BlockSpec((B, T, VT), lambda v: (0, 0, v)),
            pl.BlockSpec(memory_space=pltpu.SMEM),
        ],
        out_shape=[
            jax.ShapeDtypeStruct((B, T, VOCAB), jnp.float32),
            jax.ShapeDtypeStruct((1, 1), jnp.float32),
        ],
        scratch_shapes=[
            pltpu.SMEM((B,), jnp.float32),
            pltpu.SMEM((B,), jnp.float32),
            pltpu.SMEM((B,), jnp.float32),
        ],
        compiler_params=pltpu.CompilerParams(
            vmem_limit_bytes=120 * 1024 * 1024),
    )(labels, h, W_head)


def kernel(image, labels, W_patch, W_tok, embed_table, Wqkv, Wo, W1, W2,
           W_head, prompt_ids):
    img = image.reshape(B, C, HW // P, P, HW // P, P)
    patches = img.transpose(0, 2, 4, 1, 3, 5).reshape(B, NP, CPP)
    patches = patches.astype(jnp.bfloat16)

    idx = jnp.concatenate([jnp.array([VOCAB, VOCAB + 1], jnp.int32),
                           prompt_ids.astype(jnp.int32),
                           jnp.zeros((3,), jnp.int32)])
    emb = _sc_gather(embed_table, idx)

    x = _block(patches, emb, W_patch, W_tok, Wqkv, Wo, W1, W2)

    logits, loss = _head(labels.astype(jnp.int32), x, W_head)
    return logits, loss.reshape(())

# --- scband reference (transcript-rebuilt; emitter-appended) ---
"""Pipeline reference for scband-vision-language-model-43671227465784 (READ-ONLY COPY).

The authoritative reference and input builder live on the scoring server;
editing this copy changes nothing except your own understanding.
"""

import jax, jax.numpy as jnp
import numpy as np

B = 4
C = 3
HW = 224
P = 16
NP = (HW // P) ** 2  # 196 vision tokens
D_VIS = 768
D_MODEL = 1024
N_HEADS = 16
VOCAB = 32000
PROMPT_LEN = 3  # 'This image contains'


def setup_inputs(seed: int = 0) -> dict:
    key = jax.random.key(seed)
    ks = jax.random.split(key, 12)
    s = 0.02
    return {
        "image": jax.random.normal(ks[0], (B, C, HW, HW), dtype=jnp.float32),
        "labels": jax.random.randint(ks[1], (B,), 0, VOCAB, dtype=jnp.int64 if jax.config.jax_enable_x64 else jnp.int32),
        "W_patch": (jax.random.normal(ks[2], (C * P * P, D_VIS), dtype=jnp.float32) * s),
        "W_tok": (jax.random.normal(ks[3], (D_VIS, D_MODEL), dtype=jnp.float32) * s),
        "embed_table": (jax.random.normal(ks[4], (VOCAB + 2, D_MODEL), dtype=jnp.float32) * s),
        "Wqkv": (jax.random.normal(ks[5], (D_MODEL, 3 * D_MODEL), dtype=jnp.float32) * s),
        "Wo": (jax.random.normal(ks[6], (D_MODEL, D_MODEL), dtype=jnp.float32) * s),
        "W1": (jax.random.normal(ks[7], (D_MODEL, 4 * D_MODEL), dtype=jnp.float32) * s),
        "W2": (jax.random.normal(ks[8], (4 * D_MODEL, D_MODEL), dtype=jnp.float32) * s),
        "W_head": (jax.random.normal(ks[9], (D_MODEL, VOCAB), dtype=jnp.float32) * s),
        "prompt_ids": jax.random.randint(ks[10], (PROMPT_LEN,), 0, VOCAB),
    }


def _patchify(img):
    b, c, h, w = img.shape
    img = img.reshape(b, c, h // P, P, w // P, P)
    img = img.transpose(0, 2, 4, 1, 3, 5).reshape(b, (h // P) * (w // P), c * P * P)
    return img


def _layer_norm(x):
    mu = x.mean(-1, keepdims=True)
    var = x.var(-1, keepdims=True)
    return (x - mu) * jax.lax.rsqrt(var + 1e-5)


def _lm_block(x, Wqkv, Wo, W1, W2):
    h = _layer_norm(x)
    qkv = h @ Wqkv
    q, k, v = jnp.split(qkv, 3, axis=-1)
    b, t, d = q.shape
    hd = d // N_HEADS
    def heads(z):
        return z.reshape(b, t, N_HEADS, hd).transpose(0, 2, 1, 3)
    q, k, v = heads(q), heads(k), heads(v)
    att = (q @ k.transpose(0, 1, 3, 2)) / np.sqrt(hd).astype(np.float32)
    mask = jnp.tril(jnp.ones((t, t), dtype=bool))
    att = jnp.where(mask[None, None], att, jnp.float32(-1e30))
    att = jax.nn.softmax(att, axis=-1)
    o = (att @ v).transpose(0, 2, 1, 3).reshape(b, t, d)
    x = x + o @ Wo
    h2 = _layer_norm(x)
    x = x + jax.nn.gelu(h2 @ W1) @ W2
    return x


def reference(image, labels, W_patch, W_tok, embed_table, Wqkv, Wo, W1, W2, W_head, prompt_ids):
    # vision_processor: per-image normalization
    img = (image - image.mean(axis=(2, 3), keepdims=True)) / (image.std(axis=(2, 3), keepdims=True) + 1e-6)
    # vision_encoder: patchify + linear projection
    patches = _patchify(img)                       # [B, NP, C*P*P]
    enc = patches @ W_patch                        # [B, NP, D_VIS]
    # vision_tokenizer: project into LM embedding space
    vis_tok = enc @ W_tok                          # [B, NP, D_MODEL]
    bsz = image.shape[0]
    # format_forward: [<|imstart|>, image_tokens, <|imend|>, 'This image contains']
    start = jnp.broadcast_to(embed_table[VOCAB][None, None, :], (bsz, 1, D_MODEL))
    end = jnp.broadcast_to(embed_table[VOCAB + 1][None, None, :], (bsz, 1, D_MODEL))
    query = jnp.broadcast_to(jnp.take(embed_table, prompt_ids, axis=0)[None], (bsz, PROMPT_LEN, D_MODEL))
    x = jnp.concatenate([start, vis_tok, end, query], axis=1)
    # language_model forward on inputs_embeds
    h = _lm_block(x, Wqkv, Wo, W1, W2)
    logits = h @ W_head                            # [B, T, VOCAB]
    # loss on last-position logits vs target labels (cross entropy)
    last = logits[:, -1]
    logp = jax.nn.log_softmax(last, axis=-1)
    loss = -jnp.take_along_axis(logp, labels[:, None].astype(jnp.int32), axis=1).mean()
    return (logits, loss)

if __name__ == "__main__":
    import jax
    _d = setup_inputs()
    print(jax.jit(kernel)(*tuple(_d.values())))

</pallas_src>

<mosaic_0001>
#map = affine_map<(d0, d1) -> (0, 0)>
#map1 = affine_map<(d0, d1) -> (0)>
module attributes {stable_mosaic.version = 14 : i64} {
  func.func @k(%arg0: i32, %arg1: i32, %arg2: memref<32002x1024xf32, #tpu.memory_space<hbm>>, %arg3: memref<8xi32, #tpu.memory_space<hbm>>, %arg4: memref<8x1024xf32, #tpu.memory_space<hbm>>, %arg5: memref<8xi32, #tpu.memory_space<vmem>>, %arg6: memref<8x1024xf32, #tpu.memory_space<vmem>>, %arg7: memref<!tpu.dma_semaphore, #tpu.memory_space<semaphore_mem>>) attributes {dimension_semantics = [#tpu.dimension_semantics<core_parallel>, #tpu.dimension_semantics<subcore_parallel>], iteration_bounds = array<i64: 2, 16>, scalar_prefetch = 0 : i64, scratch_operands = 3 : i64, tpu.core_type = #tpu.core_type<sc_vector_subcore>, window_params = [{transform_indices = #map}, {transform_indices = #map1}, {transform_indices = #map}]} {
    %mul3A = arith.constant 2 : i32
    %mul3A_0 = arith.muli %arg1, %mul3A : i32
    %add3A = arith.addi %mul3A_0, %arg0 : i32
    %eq3A = arith.constant 0 : i32
    %eq3A_1 = arith.cmpi eq, %add3A, %eq3A : i32
    %convert_element_type3A = arith.extui %eq3A_1 : i1 to i32
    %cond3A = arith.constant 0 : i32
    %cond3A_2 = arith.cmpi ne, %convert_element_type3A, %cond3A : i32
    scf.if %cond3A_2 {
      "tpu.region"() ({
        %run_scoped3A = tpu.sem_alloc : memref<!tpu.dma_semaphore, #tpu.memory_space<semaphore_mem>>
        tpu.enqueue_dma source(%arg3 : memref<8xi32, #tpu.memory_space<hbm>>) target(%arg5 : memref<8xi32, #tpu.memory_space<vmem>>) target_semaphore(%run_scoped3A : memref<!tpu.dma_semaphore, #tpu.memory_space<semaphore_mem>>)
        tpu.wait_dma2 semaphore(%run_scoped3A : memref<!tpu.dma_semaphore, #tpu.memory_space<semaphore_mem>>) src(%arg3 : memref<8xi32, #tpu.memory_space<hbm>>) dst(%arg5 : memref<8xi32, #tpu.memory_space<vmem>>)
        tpu.yield
      }) : () -> ()
      %dma_start3A = arith.constant 0 : i32
      %dma_start3A_3 = arith.constant 0 : i32
      %dma_start3A_4 = tpu.memref_slice %arg2[%dma_start3A, %dma_start3A_3] : memref<32002x1024xf32, #tpu.memory_space<hbm>> -> memref<32002x1024xf32, #tpu.memory_space<hbm>>
      tpu.enqueue_indirect_dma source(%dma_start3A_4 : memref<32002x1024xf32, #tpu.memory_space<hbm>>) target(%arg6 : memref<8x1024xf32, #tpu.memory_space<vmem>>) offsets(%arg5 : memref<8xi32, #tpu.memory_space<vmem>>) semaphore(%arg7 : memref<!tpu.dma_semaphore, #tpu.memory_space<semaphore_mem>>)
      %dma_wait3A = arith.constant 0 : i32
      %dma_wait3A_5 = arith.constant 0 : i32
      %dma_wait3A_6 = tpu.memref_slice %arg2[%dma_wait3A, %dma_wait3A_5] : memref<32002x1024xf32, #tpu.memory_space<hbm>> -> memref<32002x1024xf32, #tpu.memory_space<hbm>>
      tpu.wait_indirect_dma semaphore(%arg7 : memref<!tpu.dma_semaphore, #tpu.memory_space<semaphore_mem>>) src(%dma_wait3A_6 : memref<32002x1024xf32, #tpu.memory_space<hbm>>) dst(%arg6 : memref<8x1024xf32, #tpu.memory_space<vmem>>)
      "tpu.region"() ({
        %run_scoped3A = tpu.sem_alloc : memref<!tpu.dma_semaphore, #tpu.memory_space<semaphore_mem>>
        tpu.enqueue_dma source(%arg6 : memref<8x1024xf32, #tpu.memory_space<vmem>>) target(%arg4 : memref<8x1024xf32, #tpu.memory_space<hbm>>) target_semaphore(%run_scoped3A : memref<!tpu.dma_semaphore, #tpu.memory_space<semaphore_mem>>)
        tpu.wait_dma2 semaphore(%run_scoped3A : memref<!tpu.dma_semaphore, #tpu.memory_space<semaphore_mem>>) src(%arg6 : memref<8x1024xf32, #tpu.memory_space<vmem>>) dst(%arg4 : memref<8x1024xf32, #tpu.memory_space<hbm>>)
        tpu.yield
      }) : () -> ()
    } else {
    }
    return
  }
}

module attributes {stable_mosaic.version = 14 : i64} {
  func.func @_block_body(%arg0: i32, %arg1: memref<1x196x768xbf16, #tpu.memory_space<vmem>>, %arg2: memref<8x1024xf32, #tpu.memory_space<vmem>>, %arg3: memref<768x768xf32, #tpu.memory_space<vmem>>, %arg4: memref<768x1024xf32, #tpu.memory_space<vmem>>, %arg5: memref<1024x3072xf32, #tpu.memory_space<vmem>>, %arg6: memref<1024x1024xf32, #tpu.memory_space<vmem>>, %arg7: memref<1024x4096xf32, #tpu.memory_space<vmem>>, %arg8: memref<4096x1024xf32, #tpu.memory_space<vmem>>, %arg9: memref<208x1024xbf16, #tpu.memory_space<vmem>>) attributes {dimension_semantics = [#tpu.dimension_semantics<arbitrary>], iteration_bounds = array<i64: 4>, scalar_prefetch = 0 : i64, scratch_operands = 0 : i64, tpu.core_type = #tpu.core_type<tc>, window_params = [{transform_indices = @transform_0, window_bounds = array<i64: 1, 196, 768>}, {pipeline_mode = #tpu.pipeline_mode<synchronous>, transform_indices = @transform_1, window_bounds = array<i64: 8, 1024>}, {pipeline_mode = #tpu.pipeline_mode<synchronous>, transform_indices = @transform_2, window_bounds = array<i64: 768, 768>}, {pipeline_mode = #tpu.pipeline_mode<synchronous>, transform_indices = @transform_3, window_bounds = array<i64: 768, 1024>}, {pipeline_mode = #tpu.pipeline_mode<synchronous>, transform_indices = @transform_4, window_bounds = array<i64: 1024, 3072>}, {pipeline_mode = #tpu.pipeline_mode<synchronous>, transform_indices = @transform_5, window_bounds = array<i64: 1024, 1024>}, {pipeline_mode = #tpu.pipeline_mode<synchronous>, transform_indices = @transform_6, window_bounds = array<i64: 1024, 4096>}, {pipeline_mode = #tpu.pipeline_mode<synchronous>, transform_indices = @transform_7, window_bounds = array<i64: 4096, 1024>}, {transform_indices = @transform_8, window_bounds = array<i64: 208, 1024>}]} {
    %get3A = arith.constant 0 : index
    %get3A_0 = arith.constant 0 : index
    %get3A_1 = arith.constant 0 : index
    %get3A_2 = vector.load %arg1[%get3A, %get3A_0, %get3A_1] : memref<1x196x768xbf16, #tpu.memory_space<vmem>>, vector<1x196x768xbf16>
    %get3A_3 = vector.shape_cast %get3A_2 : vector<1x196x768xbf16> to vector<196x768xbf16>
    %convert_element_type3A = arith.extf %get3A_3 : vector<196x768xbf16> to vector<196x768xf32>
    %broadcast_in_dim3A = arith.constant 0.000000e+00 : f32
    %broadcast_in_dim3A_4 = vector.broadcast %broadcast_in_dim3A : f32 to vector<196x768xf32>
    %slice3A = vector.extract_strided_slice %convert_element_type3A {offsets = [0, 0], sizes = [196, 256], strides = [1, 1]} : vector<196x768xf32> to vector<196x256xf32>
    %reduce_sum3A = vector.shape_cast %slice3A : vector<196x256xf32> to vector<1x196x256xf32>
    %reduce_sum3A_5 = arith.constant dense<0.000000e+00> : vector<1xf32>
    %reduce_sum3A_6 = vector.multi_reduction <add>, %reduce_sum3A, %reduce_sum3A_5 [1, 2] : vector<1x196x256xf32> to vector<1xf32>
    %reduce_sum3A_7 = vector.shape_cast %reduce_sum3A_6 : vector<1xf32> to vector<1x1x1xf32>
    %reduce_sum3A_8 = vector.extract %reduce_sum3A_7[0, 0, 0] : f32 from vector<1x1x1xf32>
    %div3A = arith.constant 5.017600e+04 : f32
    %div3A_9 = arith.divf %reduce_sum3A_8, %div3A : f32
    %sub3A = vector.broadcast %div3A_9 : f32 to vector<196x256xf32>
    %sub3A_10 = arith.subf %slice3A, %sub3A : vector<196x256xf32>
    %integer_pow3A = arith.mulf %sub3A_10, %sub3A_10 : vector<196x256xf32>
    %reduce_sum3A_11 = vector.shape_cast %integer_pow3A : vector<196x256xf32> to vector<1x196x256xf32>
    %reduce_sum3A_12 = arith.constant dense<0.000000e+00> : vector<1xf32>
    %reduce_sum3A_13 = vector.multi_reduction <add>, %reduce_sum3A_11, %reduce_sum3A_12 [1, 2] : vector<1x196x256xf32> to vector<1xf32>
    %reduce_sum3A_14 = vector.shape_cast %reduce_sum3A_13 : vector<1xf32> to vector<1x1x1xf32>
    %reduce_sum3A_15 = vector.extract %reduce_sum3A_14[0, 0, 0] : f32 from vector<1x1x1xf32>
    %div3A_16 = arith.constant 5.017600e+04 : f32
    %div3A_17 = arith.divf %reduce_sum3A_15, %div3A_16 : f32
    %sqrt3A = math.sqrt %div3A_17 : f32
    %add3A = arith.constant 9.99999997E-7 : f32
    %add3A_18 = arith.addf %sqrt3A, %add3A : f32
    %div3A_19 = arith.constant 1.000000e+00 : f32
    %div3A_20 = arith.divf %div3A_19, %add3A_18 : f32
    %sub3A_21 = vector.broadcast %div3A_9 : f32 to vector<196x256xf32>
    %sub3A_22 = arith.subf %slice3A, %sub3A_21 : vector<196x256xf32>
    %mul3A = vector.broadcast %div3A_20 : f32 to vector<196x256xf32>
    %mul3A_23 = arith.mulf %sub3A_22, %mul3A : vector<196x256xf32>
    %get3A_24 = arith.constant 0 : index
    %get3A_25 = arith.constant 0 : index
    %get3A_26 = vector.load %arg3[%get3A_24, %get3A_25] : memref<768x768xf32, #tpu.memory_space<vmem>>, vector<256x768xf32>
    %dot_general3A = arith.constant dense<0.000000e+00> : vector<196x768xf32>
    %dot_general3A_27 = tpu.matmul %mul3A_23, %get3A_26, %dot_general3A {dimension_numbers = #tpu.dot_dimension_numbers<[1], [0], [0], [1], [0, 0, 1, 1], [], []>, transpose_lhs_hint = false} : vector<196x256xf32>, vector<256x768xf32>, vector<196x768xf32> -> vector<196x768xf32>
    %add3A_28 = arith.addf %broadcast_in_dim3A_4, %dot_general3A_27 : vector<196x768xf32>
    %slice3A_29 = vector.extract_strided_slice %convert_element_type3A {offsets = [0, 256], sizes = [196, 256], strides = [1, 1]} : vector<196x768xf32> to vector<196x256xf32>
    %reduce_sum3A_30 = vector.shape_cast %slice3A_29 : vector<196x256xf32> to vector<1x196x256xf32>
    %reduce_sum3A_31 = arith.constant dense<0.000000e+00> : vector<1xf32>
    %reduce_sum3A_32 = vector.multi_reduction <add>, %reduce_sum3A_30, %reduce_sum3A_31 [1, 2] : vector<1x196x256xf32> to vector<1xf32>
    %reduce_sum3A_33 = vector.shape_cast %reduce_sum3A_32 : vector<1xf32> to vector<1x1x1xf32>
    %reduce_sum3A_34 = vector.extract %reduce_sum3A_33[0, 0, 0] : f32 from vector<1x1x1xf32>
    %div3A_35 = arith.constant 5.017600e+04 : f32
    %div3A_36 = arith.divf %reduce_sum3A_34, %div3A_35 : f32
    %sub3A_37 = vector.broadcast %div3A_36 : f32 to vector<196x256xf32>
    %sub3A_38 = arith.subf %slice3A_29, %sub3A_37 : vector<196x256xf32>
    %integer_pow3A_39 = arith.mulf %sub3A_38, %sub3A_38 : vector<196x256xf32>
    %reduce_sum3A_40 = vector.shape_cast %integer_pow3A_39 : vector<196x256xf32> to vector<1x196x256xf32>
    %reduce_sum3A_41 = arith.constant dense<0.000000e+00> : vector<1xf32>
    %reduce_sum3A_42 = vector.multi_reduction <add>, %reduce_sum3A_40, %reduce_sum3A_41 [1, 2] : vector<1x196x256xf32> to vector<1xf32>
    %reduce_sum3A_43 = vector.shape_cast %reduce_sum3A_42 : vector<1xf32> to vector<1x1x1xf32>
    %reduce_sum3A_44 = vector.extract %reduce_sum3A_43[0, 0, 0] : f32 from vector<1x1x1xf32>
    %div3A_45 = arith.constant 5.017600e+04 : f32
    %div3A_46 = arith.divf %reduce_sum3A_44, %div3A_45 : f32
    %sqrt3A_47 = math.sqrt %div3A_46 : f32
    %add3A_48 = arith.constant 9.99999997E-7 : f32
    %add3A_49 = arith.addf %sqrt3A_47, %add3A_48 : f32
    %div3A_50 = arith.constant 1.000000e+00 : f32
    %div3A_51 = arith.divf %div3A_50, %add3A_49 : f32
    %sub3A_52 = vector.broadcast %div3A_36 : f32 to vector<196x256xf32>
    %sub3A_53 = arith.subf %slice3A_29, %sub3A_52 : vector<196x256xf32>
    %mul3A_54 = vector.broadcast %div3A_51 : f32 to vector<196x256xf32>
    %mul3A_55 = arith.mulf %sub3A_53, %mul3A_54 : vector<196x256xf32>
    %get3A_56 = arith.constant 256 : index
    %get3A_57 = arith.constant 0 : index
    %get3A_58 = vector.load %arg3[%get3A_56, %get3A_57] : memref<768x768xf32, #tpu.memory_space<vmem>>, vector<256x768xf32>
    %dot_general3A_59 = arith.constant dense<0.000000e+00> : vector<196x768xf32>
    %dot_general3A_60 = tpu.matmul %mul3A_55, %get3A_58, %dot_general3A_59 {dimension_numbers = #tpu.dot_dimension_numbers<[1], [0], [0], [1], [0, 0, 1, 1], [], []>, transpose_lhs_hint = false} : vector<196x256xf32>, vector<256x768xf32>, vector<196x768xf32> -> vector<196x768xf32>
    %add3A_61 = arith.addf %add3A_28, %dot_general3A_60 : vector<196x768xf32>
    %slice3A_62 = vector.extract_strided_slice %convert_element_type3A {offsets = [0, 512], sizes = [196, 256], strides = [1, 1]} : vector<196x768xf32> to vector<196x256xf32>
    %reduce_sum3A_63 = vector.shape_cast %slice3A_62 : vector<196x256xf32> to vector<1x196x256xf32>
    %reduce_sum3A_64 = arith.constant dense<0.000000e+00> : vector<1xf32>
    %reduce_sum3A_65 = vector.multi_reduction <add>, %reduce_sum3A_63, %reduce_sum3A_64 [1, 2] : vector<1x196x256xf32> to vector<1xf32>
    %reduce_sum3A_66 = vector.shape_cast %reduce_sum3A_65 : vector<1xf32> to vector<1x1x1xf32>
    %reduce_sum3A_67 = vector.extract %reduce_sum3A_66[0, 0, 0] : f32 from vector<1x1x1xf32>
    %div3A_68 = arith.constant 5.017600e+04 : f32
    %div3A_69 = arith.divf %reduce_sum3A_67, %div3A_68 : f32
    %sub3A_70 = vector.broadcast %div3A_69 : f32 to vector<196x256xf32>
    %sub3A_71 = arith.subf %slice3A_62, %sub3A_70 : vector<196x256xf32>
    %integer_pow3A_72 = arith.mulf %sub3A_71, %sub3A_71 : vector<196x256xf32>
    %reduce_sum3A_73 = vector.shape_cast %integer_pow3A_72 : vector<196x256xf32> to vector<1x196x256xf32>
    %reduce_sum3A_74 = arith.constant dense<0.000000e+00> : vector<1xf32>
    %reduce_sum3A_75 = vector.multi_reduction <add>, %reduce_sum3A_73, %reduce_sum3A_74 [1, 2] : vector<1x196x256xf32> to vector<1xf32>
    %reduce_sum3A_76 = vector.shape_cast %reduce_sum3A_75 : vector<1xf32> to vector<1x1x1xf32>
    %reduce_sum3A_77 = vector.extract %reduce_sum3A_76[0, 0, 0] : f32 from vector<1x1x1xf32>
    %div3A_78 = arith.constant 5.017600e+04 : f32
    %div3A_79 = arith.divf %reduce_sum3A_77, %div3A_78 : f32
    %sqrt3A_80 = math.sqrt %div3A_79 : f32
    %add3A_81 = arith.constant 9.99999997E-7 : f32
    %add3A_82 = arith.addf %sqrt3A_80, %add3A_81 : f32
    %div3A_83 = arith.constant 1.000000e+00 : f32
    %div3A_84 = arith.divf %div3A_83, %add3A_82 : f32
    %sub3A_85 = vector.broadcast %div3A_69 : f32 to vector<196x256xf32>
    %sub3A_86 = arith.subf %slice3A_62, %sub3A_85 : vector<196x256xf32>
    %mul3A_87 = vector.broadcast %div3A_84 : f32 to vector<196x256xf32>
    %mul3A_88 = arith.mulf %sub3A_86, %mul3A_87 : vector<196x256xf32>
    %get3A_89 = arith.constant 512 : index
    %get3A_90 = arith.constant 0 : index
    %get3A_91 = vector.load %arg3[%get3A_89, %get3A_90] : memref<768x768xf32, #tpu.memory_space<vmem>>, vector<256x768xf32>
    %dot_general3A_92 = arith.constant dense<0.000000e+00> : vector<196x768xf32>
    %dot_general3A_93 = tpu.matmul %mul3A_88, %get3A_91, %dot_general3A_92 {dimension_numbers = #tpu.dot_dimension_numbers<[1], [0], [0], [1], [0, 0, 1, 1], [], []>, transpose_lhs_hint = false} : vector<196x256xf32>, vector<256x768xf32>, vector<196x768xf32> -> vector<196x768xf32>
    %add3A_94 = arith.addf %add3A_61, %dot_general3A_93 : vector<196x768xf32>
    %get3A_95 = arith.constant 0 : index
    %get3A_96 = arith.constant 0 : index
    %get3A_97 = vector.load %arg4[%get3A_95, %get3A_96] : memref<768x1024xf32, #tpu.memory_space<vmem>>, vector<768x1024xf32>
    %dot_general3A_98 = arith.constant dense<0.000000e+00> : vector<196x1024xf32>
    %dot_general3A_99 = tpu.matmul %add3A_94, %get3A_97, %dot_general3A_98 {dimension_numbers = #tpu.dot_dimension_numbers<[1], [0], [0], [1], [0, 0, 1, 1], [], []>, transpose_lhs_hint = false} : vector<196x768xf32>, vector<768x1024xf32>, vector<196x1024xf32> -> vector<196x1024xf32>
    %get3A_100 = arith.constant 0 : index
    %get3A_101 = arith.constant 0 : index
    %get3A_102 = vector.load %arg2[%get3A_100, %get3A_101] : memref<8x1024xf32, #tpu.memory_space<vmem>>, vector<8x1024xf32>
    %slice3A_103 = vector.extract_strided_slice %get3A_102 {offsets = [0, 0], sizes = [1, 1024], strides = [1, 1]} : vector<8x1024xf32> to vector<1x1024xf32>
    %slice3A_104 = vector.extract_strided_slice %get3A_102 {offsets = [1, 0], sizes = [1, 1024], strides = [1, 1]} : vector<8x1024xf32> to vector<1x1024xf32>
    %slice3A_105 = vector.extract_strided_slice %get3A_102 {offsets = [2, 0], sizes = [3, 1024], strides = [1, 1]} : vector<8x1024xf32> to vector<3x1024xf32>
    %broadcast_in_dim3A_106 = arith.constant 0.000000e+00 : f32
    %broadcast_in_dim3A_107 = vector.broadcast %broadcast_in_dim3A_106 : f32 to vector<7x1024xf32>
    %concatenate3A = tpu.concatenate %slice3A_103, %dot_general3A_99, %slice3A_104, %slice3A_105, %broadcast_in_dim3A_107 in 0 : vector<1x1024xf32>, vector<196x1024xf32>, vector<1x1024xf32>, vector<3x1024xf32>, vector<7x1024xf32> -> vector<208x1024xf32>
    %reduce_sum3A_108 = arith.constant dense<0.000000e+00> : vector<208xf32>
    %reduce_sum3A_109 = vector.multi_reduction <add>, %concatenate3A, %reduce_sum3A_108 [1] : vector<208x1024xf32> to vector<208xf32>
    %broadcast_in_dim3A_110 = vector.shape_cast %reduce_sum3A_109 : vector<208xf32> to vector<208x1xf32>
    %div3A_111 = arith.constant 1.024000e+03 : f32
    %div3A_112 = vector.broadcast %div3A_111 : f32 to vector<208x1xf32>
    %div3A_113 = arith.divf %broadcast_in_dim3A_110, %div3A_112 : vector<208x1xf32>
    %sub3A_114 = vector.broadcast %div3A_113 : vector<208x1xf32> to vector<208x1024xf32>
    %sub3A_115 = arith.subf %concatenate3A, %sub3A_114 : vector<208x1024xf32>
    %integer_pow3A_116 = arith.mulf %sub3A_115, %sub3A_115 : vector<208x1024xf32>
    %reduce_sum3A_117 = arith.constant dense<0.000000e+00> : vector<208xf32>
    %reduce_sum3A_118 = vector.multi_reduction <add>, %integer_pow3A_116, %reduce_sum3A_117 [1] : vector<208x1024xf32> to vector<208xf32>
    %broadcast_in_dim3A_119 = vector.shape_cast %reduce_sum3A_118 : vector<208xf32> to vector<208x1xf32>
    %div3A_120 = arith.constant 1.024000e+03 : f32
    %div3A_121 = vector.broadcast %div3A_120 : f32 to vector<208x1xf32>
    %div3A_122 = arith.divf %broadcast_in_dim3A_119, %div3A_121 : vector<208x1xf32>
    %sub3A_123 = vector.broadcast %div3A_113 : vector<208x1xf32> to vector<208x1024xf32>
    %sub3A_124 = arith.subf %concatenate3A, %sub3A_123 : vector<208x1024xf32>
    %add3A_125 = arith.constant 9.99999974E-6 : f32
    %add3A_126 = vector.broadcast %add3A_125 : f32 to vector<208x1xf32>
    %add3A_127 = arith.addf %div3A_122, %add3A_126 : vector<208x1xf32>
    %rsqrt3A = math.rsqrt %add3A_127 : vector<208x1xf32>
    %mul3A_128 = vector.broadcast %rsqrt3A : vector<208x1xf32> to vector<208x1024xf32>
    %mul3A_129 = arith.mulf %sub3A_124, %mul3A_128 : vector<208x1024xf32>
    %get3A_130 = arith.constant 0 : index
    %get3A_131 = arith.constant 0 : index
    %get3A_132 = vector.load %arg5[%get3A_130, %get3A_131] : memref<1024x3072xf32, #tpu.memory_space<vmem>>, vector<1024x3072xf32>
    %dot_general3A_133 = arith.constant dense<0.000000e+00> : vector<208x3072xf32>
    %dot_general3A_134 = tpu.matmul %mul3A_129, %get3A_132, %dot_general3A_133 {dimension_numbers = #tpu.dot_dimension_numbers<[1], [0], [0], [1], [0, 0, 1, 1], [], []>, transpose_lhs_hint = false} : vector<208x1024xf32>, vector<1024x3072xf32>, vector<208x3072xf32> -> vector<208x3072xf32>
    %iota3A = tpu.iota {dimensions = array<i32: 0>} : vector<208x208xi32>
    %iota3A_135 = tpu.iota {dimensions = array<i32: 1>} : vector<208x208xi32>
    %ge3A = arith.cmpi sge, %iota3A, %iota3A_135 : vector<208x208xi32>
    %slice3A_136 = vector.extract_strided_slice %dot_general3A_134 {offsets = [0, 0], sizes = [208, 64], strides = [1, 1]} : vector<208x3072xf32> to vector<208x64xf32>
    %slice3A_137 = vector.extract_strided_slice %dot_general3A_134 {offsets = [0, 1024], sizes = [208, 64], strides = [1, 1]} : vector<208x3072xf32> to vector<208x64xf32>
    %slice3A_138 = vector.extract_strided_slice %dot_general3A_134 {offsets = [0, 2048], sizes = [208, 64], strides = [1, 1]} : vector<208x3072xf32> to vector<208x64xf32>
    %dot_general3A_139 = arith.constant dense<0.000000e+00> : vector<208x208xf32>
    %dot_general3A_140 = tpu.matmul %slice3A_136, %slice3A_137, %dot_general3A_139 {dimension_numbers = #tpu.dot_dimension_numbers<[1], [1], [0], [0], [0, 0, 1, 0], [], []>, transpose_lhs_hint = false} : vector<208x64xf32>, vector<208x64xf32>, vector<208x208xf32> -> vector<208x208xf32>
    %mul3A_141 = arith.constant 1.250000e-01 : f32
    %mul3A_142 = vector.broadcast %mul3A_141 : f32 to vector<208x208xf32>
    %mul3A_143 = arith.mulf %dot_general3A_140, %mul3A_142 : vector<208x208xf32>
    %jit3A = arith.constant -1.000000e+30 : f32
    %broadcast_in_dim3A_144 = vector.broadcast %jit3A : f32 to vector<208x208xf32>
    %select_n3A = arith.select %ge3A, %mul3A_143, %broadcast_in_dim3A_144 : vector<208x208xi1>, vector<208x208xf32>
    %reduce_max3A = arith.constant dense<0xFF800000> : vector<208xf32>
    %reduce_max3A_145 = vector.multi_reduction <maximumf>, %select_n3A, %reduce_max3A [1] : vector<208x208xf32> to vector<208xf32>
    %max3A = arith.constant 0xFF800000 : f32
    %max3A_146 = vector.broadcast %max3A : f32 to vector<208xf32>
    %max3A_147 = arith.maximumf %max3A_146, %reduce_max3A_145 : vector<208xf32>
    %broadcast_in_dim3A_148 = vector.shape_cast %max3A_147 : vector<208xf32> to vector<208x1xf32>
    %sub3A_149 = vector.broadcast %broadcast_in_dim3A_148 : vector<208x1xf32> to vector<208x208xf32>
    %sub3A_150 = arith.subf %select_n3A, %sub3A_149 : vector<208x208xf32>
    %exp3A = math.exp %sub3A_150 : vector<208x208xf32>
    %reduce_sum3A_151 = arith.constant dense<0.000000e+00> : vector<208xf32>
    %reduce_sum3A_152 = vector.multi_reduction <add>, %exp3A, %reduce_sum3A_151 [1] : vector<208x208xf32> to vector<208xf32>
    %broadcast_in_dim3A_153 = vector.shape_cast %reduce_sum3A_152 : vector<208xf32> to vector<208x1xf32>
    %div3A_154 = vector.broadcast %broadcast_in_dim3A_153 : vector<208x1xf32> to vector<208x208xf32>
    %div3A_155 = arith.divf %exp3A, %div3A_154 : vector<208x208xf32>
    %dot_general3A_156 = arith.constant dense<0.000000e+00> : vector<208x64xf32>
    %dot_general3A_157 = tpu.matmul %div3A_155, %slice3A_138, %dot_general3A_156 {dimension_numbers = #tpu.dot_dimension_numbers<[1], [0], [0], [1], [0, 0, 1, 1], [], []>, transpose_lhs_hint = false} : vector<208x208xf32>, vector<208x64xf32>, vector<208x64xf32> -> vector<208x64xf32>
    %slice3A_158 = vector.extract_strided_slice %dot_general3A_134 {offsets = [0, 64], sizes = [208, 64], strides = [1, 1]} : vector<208x3072xf32> to vector<208x64xf32>
    %slice3A_159 = vector.extract_strided_slice %dot_general3A_134 {offsets = [0, 1088], sizes = [208, 64], strides = [1, 1]} : vector<208x3072xf32> to vector<208x64xf32>
    %slice3A_160 = vector.extract_strided_slice %dot_general3A_134 {offsets = [0, 2112], sizes = [208, 64], strides = [1, 1]} : vector<208x3072xf32> to vector<208x64xf32>
    %dot_general3A_161 = arith.constant dense<0.000000e+00> : vector<208x208xf32>
    %dot_general3A_162 = tpu.matmul %slice3A_158, %slice3A_159, %dot_general3A_161 {dimension_numbers = #tpu.dot_dimension_numbers<[1], [1], [0], [0], [0, 0, 1, 0], [], []>, transpose_lhs_hint = false} : vector<208x64xf32>, vector<208x64xf32>, vector<208x208xf32> -> vector<208x208xf32>
    %mul3A_163 = arith.constant 1.250000e-01 : f32
    %mul3A_164 = vector.broadcast %mul3A_163 : f32 to vector<208x208xf32>
    %mul3A_165 = arith.mulf %dot_general3A_162, %mul3A_164 : vector<208x208xf32>
    %jit3A_166 = arith.constant -1.000000e+30 : f32
    %broadcast_in_dim3A_167 = vector.broadcast %jit3A_166 : f32 to vector<208x208xf32>
    %select_n3A_168 = arith.select %ge3A, %mul3A_165, %broadcast_in_dim3A_167 : vector<208x208xi1>, vector<208x208xf32>
    %reduce_max3A_169 = arith.constant dense<0xFF800000> : vector<208xf32>
    %reduce_max3A_170 = vector.multi_reduction <maximumf>, %select_n3A_168, %reduce_max3A_169 [1] : vector<208x208xf32> to vector<208xf32>
    %max3A_171 = arith.constant 0xFF800000 : f32
    %max3A_172 = vector.broadcast %max3A_171 : f32 to vector<208xf32>
    %max3A_173 = arith.maximumf %max3A_172, %reduce_max3A_170 : vector<208xf32>
    %broadcast_in_dim3A_174 = vector.shape_cast %max3A_173 : vector<208xf32> to vector<208x1xf32>
    %sub3A_175 = vector.broadcast %broadcast_in_dim3A_174 : vector<208x1xf32> to vector<208x208xf32>
    %sub3A_176 = arith.subf %select_n3A_168, %sub3A_175 : vector<208x208xf32>
    %exp3A_177 = math.exp %sub3A_176 : vector<208x208xf32>
    %reduce_sum3A_178 = arith.constant dense<0.000000e+00> : vector<208xf32>
    %reduce_sum3A_179 = vector.multi_reduction <add>, %exp3A_177, %reduce_sum3A_178 [1] : vector<208x208xf32> to vector<208xf32>
    %broadcast_in_dim3A_180 = vector.shape_cast %reduce_sum3A_179 : vector<208xf32> to vector<208x1xf32>
    %div3A_181 = vector.broadcast %broadcast_in_dim3A_180 : vector<208x1xf32> to vector<208x208xf32>
    %div3A_182 = arith.divf %exp3A_177, %div3A_181 : vector<208x208xf32>
    %dot_general3A_183 = arith.constant dense<0.000000e+00> : vector<208x64xf32>
    %dot_general3A_184 = tpu.matmul %div3A_182, %slice3A_160, %dot_general3A_183 {dimension_numbers = #tpu.dot_dimension_numbers<[1], [0], [0], [1], [0, 0, 1, 1], [], []>, transpose_lhs_hint = false} : vector<208x208xf32>, vector<208x64xf32>, vector<208x64xf32> -> vector<208x64xf32>
    %slice3A_185 = vector.extract_strided_slice %dot_general3A_134 {offsets = [0, 128], sizes = [208, 64], strides = [1, 1]} : vector<208x3072xf32> to vector<208x64xf32>
    %slice3A_186 = vector.extract_strided_slice %dot_general3A_134 {offsets = [0, 1152], sizes = [208, 64], strides = [1, 1]} : vector<208x3072xf32> to vector<208x64xf32>
    %slice3A_187 = vector.extract_strided_slice %dot_general3A_134 {offsets = [0, 2176], sizes = [208, 64], strides = [1, 1]} : vector<208x3072xf32> to vector<208x64xf32>
    %dot_general3A_188 = arith.constant dense<0.000000e+00> : vector<208x208xf32>
    %dot_general3A_189 = tpu.matmul %slice3A_185, %slice3A_186, %dot_general3A_188 {dimension_numbers = #tpu.dot_dimension_numbers<[1], [1], [0], [0], [0, 0, 1, 0], [], []>, transpose_lhs_hint = false} : vector<208x64xf32>, vector<208x64xf32>, vector<208x208xf32> -> vector<208x208xf32>
    %mul3A_190 = arith.constant 1.250000e-01 : f32
    %mul3A_191 = vector.broadcast %mul3A_190 : f32 to vector<208x208xf32>
    %mul3A_192 = arith.mulf %dot_general3A_189, %mul3A_191 : vector<208x208xf32>
    %jit3A_193 = arith.constant -1.000000e+30 : f32
    %broadcast_in_dim3A_194 = vector.broadcast %jit3A_193 : f32 to vector<208x208xf32>
    %select_n3A_195 = arith.select %ge3A, %mul3A_192, %broadcast_in_dim3A_194 : vector<208x208xi1>, vector<208x208xf32>
    %reduce_max3A_196 = arith.constant dense<0xFF800000> : vector<208xf32>
    %reduce_max3A_197 = vector.multi_reduction <maximumf>, %select_n3A_195, %reduce_max3A_196 [1] : vector<208x208xf32> to vector<208xf32>
    %max3A_198 = arith.constant 0xFF800000 : f32
    %max3A_199 = vector.broadcast %max3A_198 : f32 to vector<208xf32>
    %max3A_200 = arith.maximumf %max3A_199, %reduce_max3A_197 : vector<208xf32>
    %broadcast_in_dim3A_201 = vector.shape_cast %max3A_200 : vector<208xf32> to vector<208x1xf32>
    %sub3A_202 = vector.broadcast %broadcast_in_dim3A_201 : vector<208x1xf32> to vector<208x208xf32>
    %sub3A_203 = arith.subf %select_n3A_195, %sub3A_202 : vector<208x208xf32>
    %exp3A_204 = math.exp %sub3A_203 : vector<208x208xf32>
    %reduce_sum3A_205 = arith.constant dense<0.000000e+00> : vector<208xf32>
    %reduce_sum3A_206 = vector.multi_reduction <add>, %exp3A_204, %reduce_sum3A_205 [1] : vector<208x208xf32> to vector<208xf32>
    %broadcast_in_dim3A_207 = vector.shape_cast %reduce_sum3A_206 : vector<208xf32> to vector<208x1xf32>
    %div3A_208 = vector.broadcast %broadcast_in_dim3A_207 : vector<208x1xf32> to vector<208x208xf32>
    %div3A_209 = arith.divf %exp3A_204, %div3A_208 : vector<208x208xf32>
    %dot_general3A_210 = arith.constant dense<0.000000e+00> : vector<208x64xf32>
    %dot_general3A_211 = tpu.matmul %div3A_209, %slice3A_187, %dot_general3A_210 {dimension_numbers = #tpu.dot_dimension_numbers<[1], [0], [0], [1], [0, 0, 1, 1], [], []>, transpose_lhs_hint = false} : vector<208x208xf32>, vector<208x64xf32>, vector<208x64xf32> -> vector<208x64xf32>
    %slice3A_212 = vector.extract_strided_slice %dot_general3A_134 {offsets = [0, 192], sizes = [208, 64], strides = [1, 1]} : vector<208x3072xf32> to vector<208x64xf32>
    %slice3A_213 = vector.extract_strided_slice %dot_general3A_134 {offsets = [0, 1216], sizes = [208, 64], strides = [1, 1]} : vector<208x3072xf32> to vector<208x64xf32>
    %slice3A_214 = vector.extract_strided_slice %dot_general3A_134 {offsets = [0, 2240], sizes = [208, 64], strides = [1, 1]} : vector<208x3072xf32> to vector<208x64xf32>
    %dot_general3A_215 = arith.constant dense<0.000000e+00> : vector<208x208xf32>
    %dot_general3A_216 = tpu.matmul %slice3A_212, %slice3A_213, %dot_general3A_215 {dimension_numbers = #tpu.dot_dimension_numbers<[1], [1], [0], [0], [0, 0, 1, 0], [], []>, transpose_lhs_hint = false} : vector<208x64xf32>, vector<208x64xf32>, vector<208x208xf32> -> vector<208x208xf32>
    %mul3A_217 = arith.constant 1.250000e-01 : f32
    %mul3A_218 = vector.broadcast %mul3A_217 : f32 to vector<208x208xf32>
    %mul3A_219 = arith.mulf %dot_general3A_216, %mul3A_218 : vector<208x208xf32>
    %jit3A_220 = arith.constant -1.000000e+30 : f32
    %broadcast_in_dim3A_221 = vector.broadcast %jit3A_220 : f32 to vector<208x208xf32>
    %select_n3A_222 = arith.select %ge3A, %mul3A_219, %broadcast_in_dim3A_221 : vector<208x208xi1>, vector<208x208xf32>
    %reduce_max3A_223 = arith.constant dense<0xFF800000> : vector<208xf32>
    %reduce_max3A_224 = vector.multi_reduction <maximumf>, %select_n3A_222, %reduce_max3A_223 [1] : vector<208x208xf32> to vector<208xf32>
    %max3A_225 = arith.constant 0xFF800000 : f32
    %max3A_226 = vector.broadcast %max3A_225 : f32 to vector<208xf32>
    %max3A_227 = arith.maximumf %max3A_226, %reduce_max3A_224 : vector<208xf32>
    %broadcast_in_dim3A_228 = vector.shape_cast %max3A_227 : vector<208xf32> to vector<208x1xf32>
    %sub3A_229 = vector.broadcast %broadcast_in_dim3A_228 : vector<208x1xf32> to vector<208x208xf32>
    %sub3A_230 = arith.subf %select_n3A_222, %sub3A_229 : vector<208x208xf32>
    %exp3A_231 = math.exp %sub3A_230 : vector<208x208xf32>
    %reduce_sum3A_232 = arith.constant dense<0.000000e+00> : vector<208xf32>
    %reduce_sum3A_233 = vector.multi_reduction <add>, %exp3A_231, %reduce_sum3A_232 [1] : vector<208x208xf32> to vector<208xf32>
    %broadcast_in_dim3A_234 = vector.shape_cast %reduce_sum3A_233 : vector<208xf32> to vector<208x1xf32>
    %div3A_235 = vector.broadcast %broadcast_in_dim3A_234 : vector<208x1xf32> to vector<208x208xf32>
    %div3A_236 = arith.divf %exp3A_231, %div3A_235 : vector<208x208xf32>
    %dot_general3A_237 = arith.constant dense<0.000000e+00> : vector<208x64xf32>
    %dot_general3A_238 = tpu.matmul %div3A_236, %slice3A_214, %dot_general3A_237 {dimension_numbers = #tpu.dot_dimension_numbers<[1], [0], [0], [1], [0, 0, 1, 1], [], []>, transpose_lhs_hint = false} : vector<208x208xf32>, vector<208x64xf32>, vector<208x64xf32> -> vector<208x64xf32>
    %slice3A_239 = vector.extract_strided_slice %dot_general3A_134 {offsets = [0, 256], sizes = [208, 64], strides = [1, 1]} : vector<208x3072xf32> to vector<208x64xf32>
    %slice3A_240 = vector.extract_strided_slice %dot_general3A_134 {offsets = [0, 1280], sizes = [208, 64], strides = [1, 1]} : vector<208x3072xf32> to vector<208x64xf32>
    %slice3A_241 = vector.extract_strided_slice %dot_general3A_134 {offsets = [0, 2304], sizes = [208, 64], strides = [1, 1]} : vector<208x3072xf32> to vector<208x64xf32>
    %dot_general3A_242 = arith.constant dense<0.000000e+00> : vector<208x208xf32>
    %dot_general3A_243 = tpu.matmul %slice3A_239, %slice3A_240, %dot_general3A_242 {dimension_numbers = #tpu.dot_dimension_numbers<[1], [1], [0], [0], [0, 0, 1, 0], [], []>, transpose_lhs_hint = false} : vector<208x64xf32>, vector<208x64xf32>, vector<208x208xf32> -> vector<208x208xf32>
    %mul3A_244 = arith.constant 1.250000e-01 : f32
    %mul3A_245 = vector.broadcast %mul3A_244 : f32 to vector<208x208xf32>
    %mul3A_246 = arith.mulf %dot_general3A_243, %mul3A_245 : vector<208x208xf32>
    %jit3A_247 = arith.constant -1.000000e+30 : f32
    %broadcast_in_dim3A_248 = vector.broadcast %jit3A_247 : f32 to vector<208x208xf32>
    %select_n3A_249 = arith.select %ge3A, %mul3A_246, %broadcast_in_dim3A_248 : vector<208x208xi1>, vector<208x208xf32>
    %reduce_max3A_250 = arith.constant dense<0xFF800000> : vector<208xf32>
    %reduce_max3A_251 = vector.multi_reduction <maximumf>, %select_n3A_249, %reduce_max3A_250 [1] : vector<208x208xf32> to vector<208xf32>
    %max3A_252 = arith.constant 0xFF800000 : f32
    %max3A_253 = vector.broadcast %max3A_252 : f32 to vector<208xf32>
    %max3A_254 = arith.maximumf %max3A_253, %reduce_max3A_251 : vector<208xf32>
    %broadcast_in_dim3A_255 = vector.shape_cast %max3A_254 : vector<208xf32> to vector<208x1xf32>
    %sub3A_256 = vector.broadcast %broadcast_in_dim3A_255 : vector<208x1xf32> to vector<208x208xf32>
    %sub3A_257 = arith.subf %select_n3A_249, %sub3A_256 : vector<208x208xf32>
    %exp3A_258 = math.exp %sub3A_257 : vector<208x208xf32>
    %reduce_sum3A_259 = arith.constant dense<0.000000e+00> : vector<208xf32>
    %reduce_sum3A_260 = vector.multi_reduction <add>, %exp3A_258, %reduce_sum3A_259 [1] : vector<208x208xf32> to vector<208xf32>
    %broadcast_in_dim3A_261 = vector.shape_cast %reduce_sum3A_260 : vector<208xf32> to vector<208x1xf32>
    %div3A_262 = vector.broadcast %broadcast_in_dim3A_261 : vector<208x1xf32> to vector<208x208xf32>
    %div3A_263 = arith.divf %exp3A_258, %div3A_262 : vector<208x208xf32>
    %dot_general3A_264 = arith.constant dense<0.000000e+00> : vector<208x64xf32>
    %dot_general3A_265 = tpu.matmul %div3A_263, %slice3A_241, %dot_general3A_264 {dimension_numbers = #tpu.dot_dimension_numbers<[1], [0], [0], [1], [0, 0, 1, 1], [], []>, transpose_lhs_hint = false} : vector<208x208xf32>, vector<208x64xf32>, vector<208x64xf32> -> vector<208x64xf32>
    %slice3A_266 = vector.extract_strided_slice %dot_general3A_134 {offsets = [0, 320], sizes = [208, 64], strides = [1, 1]} : vector<208x3072xf32> to vector<208x64xf32>
    %slice3A_267 = vector.extract_strided_slice %dot_general3A_134 {offsets = [0, 1344], sizes = [208, 64], strides = [1, 1]} : vector<208x3072xf32> to vector<208x64xf32>
    %slice3A_268 = vector.extract_strided_slice %dot_general3A_134 {offsets = [0, 2368], sizes = [208, 64], strides = [1, 1]} : vector<208x3072xf32> to vector<208x64xf32>
    %dot_general3A_269 = arith.constant dense<0.000000e+00> : vector<208x208xf32>
    %dot_general3A_270 = tpu.matmul %slice3A_266, %slice3A_267, %dot_general3A_269 {dimension_numbers = #tpu.dot_dimension_numbers<[1], [1], [0], [0], [0, 0, 1, 0], [], []>, transpose_lhs_hint = false} : vector<208x64xf32>, vector<208x64xf32>, vector<208x208xf32> -> vector<208x208xf32>
    %mul3A_271 = arith.constant 1.250000e-01 : f32
    %mul3A_272 = vector.broadcast %mul3A_271 : f32 to vector<208x208xf32>
    %mul3A_273 = arith.mulf %dot_general3A_270, %mul3A_272 : vector<208x208xf32>
    %jit3A_274 = arith.constant -1.000000e+30 : f32
    %broadcast_in_dim3A_275 = vector.broadcast %jit3A_274 : f32 to vector<208x208xf32>
    %select_n3A_276 = arith.select %ge3A, %mul3A_273, %broadcast_in_dim3A_275 : vector<208x208xi1>, vector<208x208xf32>
    %reduce_max3A_277 = arith.constant dense<0xFF800000> : vector<208xf32>
    %reduce_max3A_278 = vector.multi_reduction <maximumf>, %select_n3A_276, %reduce_max3A_277 [1] : vector<208x208xf32> to vector<208xf32>
    %max3A_279 = arith.constant 0xFF800000 : f32
    %max3A_280 = vector.broadcast %max3A_279 : f32 to vector<208xf32>
    %max3A_281 = arith.maximumf %max3A_280, %reduce_max3A_278 : vector<208xf32>
    %broadcast_in_dim3A_282 = vector.shape_cast %max3A_281 : vector<208xf32> to vector<208x1xf32>
    %sub3A_283 = vector.broadcast %broadcast_in_dim3A_282 : vector<208x1xf32> to vector<208x208xf32>
    %sub3A_284 = arith.subf %select_n3A_276, %sub3A_283 : vector<208x208xf32>
    %exp3A_285 = math.exp %sub3A_284 : vector<208x208xf32>
    %reduce_sum3A_286 = arith.constant dense<0.000000e+00> : vector<208xf32>
    %reduce_sum3A_287 = vector.multi_reduction <add>, %exp3A_285, %reduce_sum3A_286 [1] : vector<208x208xf32> to vector<208xf32>
    %broadcast_in_dim3A_288 = vector.shape_cast %reduce_sum3A_287 : vector<208xf32> to vector<208x1xf32>
    %div3A_289 = vector.broadcast %broadcast_in_dim3A_288 : vector<208x1xf32> to vector<208x208xf32>
    %div3A_290 = arith.divf %exp3A_285, %div3A_289 : vector<208x208xf32>
    %dot_general3A_291 = arith.constant dense<0.000000e+00> : vector<208x64xf32>
    %dot_general3A_292 = tpu.matmul %div3A_290, %slice3A_268, %dot_general3A_291 {dimension_numbers = #tpu.dot_dimension_numbers<[1], [0], [0], [1], [0, 0, 1, 1], [], []>, transpose_lhs_hint = false} : vector<208x208xf32>, vector<208x64xf32>, vector<208x64xf32> -> vector<208x64xf32>
    %slice3A_293 = vector.extract_strided_slice %dot_general3A_134 {offsets = [0, 384], sizes = [208, 64], strides = [1, 1]} : vector<208x3072xf32> to vector<208x64xf32>
    %slice3A_294 = vector.extract_strided_slice %dot_general3A_134 {offsets = [0, 1408], sizes = [208, 64], strides = [1, 1]} : vector<208x3072xf32> to vector<208x64xf32>
    %slice3A_295 = vector.extract_strided_slice %dot_general3A_134 {offsets = [0, 2432], sizes = [208, 64], strides = [1, 1]} : vector<208x3072xf32> to vector<208x64xf32>
    %dot_general3A_296 = arith.constant dense<0.000000e+00> : vector<208x208xf32>
    %dot_general3A_297 = tpu.matmul %slice3A_293, %slice3A_294, %dot_general3A_296 {dimension_numbers = #tpu.dot_dimension_numbers<[1], [1], [0], [0], [0, 0, 1, 0], [], []>, transpose_lhs_hint = false} : vector<208x64xf32>, vector<208x64xf32>, vector<208x208xf32> -> vector<208x208xf32>
    %mul3A_298 = arith.constant 1.250000e-01 : f32
    %mul3A_299 = vector.broadcast %mul3A_298 : f32 to vector<208x208xf32>
    %mul3A_300 = arith.mulf %dot_general3A_297, %mul3A_299 : vector<208x208xf32>
    %jit3A_301 = arith.constant -1.000000e+30 : f32
    %broadcast_in_dim3A_302 = vector.broadcast %jit3A_301 : f32 to vector<208x208xf32>
    %select_n3A_303 = arith.select %ge3A, %mul3A_300, %broadcast_in_dim3A_302 : vector<208x208xi1>, vector<208x208xf32>
    %reduce_max3A_304 = arith.constant dense<0xFF800000> : vector<208xf32>
    %reduce_max3A_305 = vector.multi_reduction <maximumf>, %select_n3A_303, %reduce_max3A_304 [1] : vector<208x208xf32> to vector<208xf32>
    %max3A_306 = arith.constant 0xFF800000 : f32
    %max3A_307 = vector.broadcast %max3A_306 : f32 to vector<208xf32>
    %max3A_308 = arith.maximumf %max3A_307, %reduce_max3A_305 : vector<208xf32>
    %broadcast_in_dim3A_309 = vector.shape_cast %max3A_308 : vector<208xf32> to vector<208x1xf32>
    %sub3A_310 = vector.broadcast %broadcast_in_dim3A_309 : vector<208x1xf32> to vector<208x208xf32>
    %sub3A_311 = arith.subf %select_n3A_303, %sub3A_310 : vector<208x208xf32>
    %exp3A_312 = math.exp %sub3A_311 : vector<208x208xf32>
    %reduce_sum3A_313 = arith.constant dense<0.000000e+00> : vector<208xf32>
    %reduce_sum3A_314 = vector.multi_reduction <add>, %exp3A_312, %reduce_sum3A_313 [1] : vector<208x208xf32> to vector<208xf32>
    %broadcast_in_dim3A_315 = vector.shape_cast %reduce_sum3A_314 : vector<208xf32> to vector<208x1xf32>
    %div3A_316 = vector.broadcast %broadcast_in_dim3A_315 : vector<208x1xf32> to vector<208x208xf32>
    %div3A_317 = arith.divf %exp3A_312, %div3A_316 : vector<208x208xf32>
    %dot_general3A_318 = arith.constant dense<0.000000e+00> : vector<208x64xf32>
    %dot_general3A_319 = tpu.matmul %div3A_317, %slice3A_295, %dot_general3A_318 {dimension_numbers = #tpu.dot_dimension_numbers<[1], [0], [0], [1], [0, 0, 1, 1], [], []>, transpose_lhs_hint = false} : vector<208x208xf32>, vector<208x64xf32>, vector<208x64xf32> -> vector<208x64xf32>
    %slice3A_320 = vector.extract_strided_slice %dot_general3A_134 {offsets = [0, 448], sizes = [208, 64], strides = [1, 1]} : vector<208x3072xf32> to vector<208x64xf32>
    %slice3A_321 = vector.extract_strided_slice %dot_general3A_134 {offsets = [0, 1472], sizes = [208, 64], strides = [1, 1]} : vector<208x3072xf32> to vector<208x64xf32>
    %slice3A_322 = vector.extract_strided_slice %dot_general3A_134 {offsets = [0, 2496], sizes = [208, 64], strides = [1, 1]} : vector<208x3072xf32> to vector<208x64xf32>
    %dot_general3A_323 = arith.constant dense<0.000000e+00> : vector<208x208xf32>
    %dot_general3A_324 = tpu.matmul %slice3A_320, %slice3A_321, %dot_general3A_323 {dimension_numbers = #tpu.dot_dimension_numbers<[1], [1], [0], [0], [0, 0, 1, 0], [], []>, transpose_lhs_hint = false} : vector<208x64xf32>, vector<208x64xf32>, vector<208x208xf32> -> vector<208x208xf32>
    %mul3A_325 = arith.constant 1.250000e-01 : f32
    %mul3A_326 = vector.broadcast %mul3A_325 : f32 to vector<208x208xf32>
    %mul3A_327 = arith.mulf %dot_general3A_324, %mul3A_326 : vector<208x208xf32>
    %jit3A_328 = arith.constant -1.000000e+30 : f32
    %broadcast_in_dim3A_329 = vector.broadcast %jit3A_328 : f32 to vector<208x208xf32>
    %select_n3A_330 = arith.select %ge3A, %mul3A_327, %broadcast_in_dim3A_329 : vector<208x208xi1>, vector<208x208xf32>
    %reduce_max3A_331 = arith.constant dense<0xFF800000> : vector<208xf32>
    %reduce_max3A_332 = vector.multi_reduction <maximumf>, %select_n3A_330, %reduce_max3A_331 [1] : vector<208x208xf32> to vector<208xf32>
    %max3A_333 = arith.constant 0xFF800000 : f32
    %max3A_334 = vector.broadcast %max3A_333 : f32 to vector<208xf32>
    %max3A_335 = arith.maximumf %max3A_334, %reduce_max3A_332 : vector<208xf32>
    %broadcast_in_dim3A_336 = vector.shape_cast %max3A_335 : vector<208xf32> to vector<208x1xf32>
    %sub3A_337 = vector.broadcast %broadcast_in_dim3A_336 : vector<208x1xf32> to vector<208x208xf32>
    %sub3A_338 = arith.subf %select_n3A_330, %sub3A_337 : vector<208x208xf32>
    %exp3A_339 = math.exp %sub3A_338 : vector<208x208xf32>
    %reduce_sum3A_340 = arith.constant dense<0.000000e+00> : vector<208xf32>
    %reduce_sum3A_341 = vector.multi_reduction <add>, %exp3A_339, %reduce_sum3A_340 [1] : vector<208x208xf32> to vector<208xf32>
    %broadcast_in_dim3A_342 = vector.shape_cast %reduce_sum3A_341 : vector<208xf32> to vector<208x1xf32>
    %div3A_343 = vector.broadcast %broadcast_in_dim3A_342 : vector<208x1xf32> to vector<208x208xf32>
    %div3A_344 = arith.divf %exp3A_339, %div3A_343 : vector<208x208xf32>
    %dot_general3A_345 = arith.constant dense<0.000000e+00> : vector<208x64xf32>
    %dot_general3A_346 = tpu.matmul %div3A_344, %slice3A_322, %dot_general3A_345 {dimension_numbers = #tpu.dot_dimension_numbers<[1], [0], [0], [1], [0, 0, 1, 1], [], []>, transpose_lhs_hint = false} : vector<208x208xf32>, vector<208x64xf32>, vector<208x64xf32> -> vector<208x64xf32>
    %slice3A_347 = vector.extract_strided_slice %dot_general3A_134 {offsets = [0, 512], sizes = [208, 64], strides = [1, 1]} : vector<208x3072xf32> to vector<208x64xf32>
    %slice3A_348 = vector.extract_strided_slice %dot_general3A_134 {offsets = [0, 1536], sizes = [208, 64], strides = [1, 1]} : vector<208x3072xf32> to vector<208x64xf32>
    %slice3A_349 = vector.extract_strided_slice %dot_general3A_134 {offsets = [0, 2560], sizes = [208, 64], strides = [1, 1]} : vector<208x3072xf32> to vector<208x64xf32>
    %dot_general3A_350 = arith.constant dense<0.000000e+00> : vector<208x208xf32>
    %dot_general3A_351 = tpu.matmul %slice3A_347, %slice3A_348, %dot_general3A_350 {dimension_numbers = #tpu.dot_dimension_numbers<[1], [1], [0], [0], [0, 0, 1, 0], [], []>, transpose_lhs_hint = false} : vector<208x64xf32>, vector<208x64xf32>, vector<208x208xf32> -> vector<208x208xf32>
    %mul3A_352 = arith.constant 1.250000e-01 : f32
    %mul3A_353 = vector.broadcast %mul3A_352 : f32 to vector<208x208xf32>
    %mul3A_354 = arith.mulf %dot_general3A_351, %mul3A_353 : vector<208x208xf32>
    %jit3A_355 = arith.constant -1.000000e+30 : f32
    %broadcast_in_dim3A_356 = vector.broadcast %jit3A_355 : f32 to vector<208x208xf32>
    %select_n3A_357 = arith.select %ge3A, %mul3A_354, %broadcast_in_dim3A_356 : vector<208x208xi1>, vector<208x208xf32>
    %reduce_max3A_358 = arith.constant dense<0xFF800000> : vector<208xf32>
    %reduce_max3A_359 = vector.multi_reduction <maximumf>, %select_n3A_357, %reduce_max3A_358 [1] : vector<208x208xf32> to vector<208xf32>
    %max3A_360 = arith.constant 0xFF800000 : f32
    %max3A_361 = vector.broadcast %max3A_360 : f32 to vector<208xf32>
    %max3A_362 = arith.maximumf %max3A_361, %reduce_max3A_359 : vector<208xf32>
    %broadcast_in_dim3A_363 = vector.shape_cast %max3A_362 : vector<208xf32> to vector<208x1xf32>
    %sub3A_364 = vector.broadcast %broadcast_in_dim3A_363 : vector<208x1xf32> to vector<208x208xf32>
    %sub3A_365 = arith.subf %select_n3A_357, %sub3A_364 : vector<208x208xf32>
    %exp3A_366 = math.exp %sub3A_365 : vector<208x208xf32>
    %reduce_sum3A_367 = arith.constant dense<0.000000e+00> : vector<208xf32>
    %reduce_sum3A_368 = vector.multi_reduction <add>, %exp3A_366, %reduce_sum3A_367 [1] : vector<208x208xf32> to vector<208xf32>
    %broadcast_in_dim3A_369 = vector.shape_cast %reduce_sum3A_368 : vector<208xf32> to vector<208x1xf32>
    %div3A_370 = vector.broadcast %broadcast_in_dim3A_369 : vector<208x1xf32> to vector<208x208xf32>
    %div3A_371 = arith.divf %exp3A_366, %div3A_370 : vector<208x208xf32>
    %dot_general3A_372 = arith.constant dense<0.000000e+00> : vector<208x64xf32>
    %dot_general3A_373 = tpu.matmul %div3A_371, %slice3A_349, %dot_general3A_372 {dimension_numbers = #tpu.dot_dimension_numbers<[1], [0], [0], [1], [0, 0, 1, 1], [], []>, transpose_lhs_hint = false} : vector<208x208xf32>, vector<208x64xf32>, vector<208x64xf32> -> vector<208x64xf32>
    %slice3A_374 = vector.extract_strided_slice %dot_general3A_134 {offsets = [0, 576], sizes = [208, 64], strides = [1, 1]} : vector<208x3072xf32> to vector<208x64xf32>
    %slice3A_375 = vector.extract_strided_slice %dot_general3A_134 {offsets = [0, 1600], sizes = [208, 64], strides = [1, 1]} : vector<208x3072xf32> to vector<208x64xf32>
    %slice3A_376 = vector.extract_strided_slice %dot_general3A_134 {offsets = [0, 2624], sizes = [208, 64], strides = [1, 1]} : vector<208x3072xf32> to vector<208x64xf32>
    %dot_general3A_377 = arith.constant dense<0.000000e+00> : vector<208x208xf32>
    %dot_general3A_378 = tpu.matmul %slice3A_374, %slice3A_375, %dot_general3A_377 {dimension_numbers = #tpu.dot_dimension_numbers<[1], [1], [0], [0], [0, 0, 1, 0], [], []>, transpose_lhs_hint = false} : vector<208x64xf32>, vector<208x64xf32>, vector<208x208xf32> -> vector<208x208xf32>
    %mul3A_379 = arith.constant 1.250000e-01 : f32
    %mul3A_380 = vector.broadcast %mul3A_379 : f32 to vector<208x208xf32>
    %mul3A_381 = arith.mulf %dot_general3A_378, %mul3A_380 : vector<208x208xf32>
    %jit3A_382 = arith.constant -1.000000e+30 : f32
    %broadcast_in_dim3A_383 = vector.broadcast %jit3A_382 : f32 to vector<208x208xf32>
    %select_n3A_384 = arith.select %ge3A, %mul3A_381, %broadcast_in_dim3A_383 : vector<208x208xi1>, vector<208x208xf32>
    %reduce_max3A_385 = arith.constant dense<0xFF800000> : vector<208xf32>
    %reduce_max3A_386 = vector.multi_reduction <maximumf>, %select_n3A_384, %reduce_max3A_385 [1] : vector<208x208xf32> to vector<208xf32>
    %max3A_387 = arith.constant 0xFF800000 : f32
    %max3A_388 = vector.broadcast %max3A_387 : f32 to vector<208xf32>
    %max3A_389 = arith.maximumf %max3A_388, %reduce_max3A_386 : vector<208xf32>
    %broadcast_in_dim3A_390 = vector.shape_cast %max3A_389 : vector<208xf32> to vector<208x1xf32>
    %sub3A_391 = vector.broadcast %broadcast_in_dim3A_390 : vector<208x1xf32> to vector<208x208xf32>
    %sub3A_392 = arith.subf %select_n3A_384, %sub3A_391 : vector<208x208xf32>
    %exp3A_393 = math.exp %sub3A_392 : vector<208x208xf32>
    %reduce_sum3A_394 = arith.constant dense<0.000000e+00> : vector<208xf32>
    %reduce_sum3A_395 = vector.multi_reduction <add>, %exp3A_393, %reduce_sum3A_394 [1] : vector<208x208xf32> to vector<208xf32>
    %broadcast_in_dim3A_396 = vector.shape_cast %reduce_sum3A_395 : vector<208xf32> to vector<208x1xf32>
    %div3A_397 = vector.broadcast %broadcast_in_dim3A_396 : vector<208x1xf32> to vector<208x208xf32>
    %div3A_398 = arith.divf %exp3A_393, %div3A_397 : vector<208x208xf32>
    %dot_general3A_399 = arith.constant dense<0.000000e+00> : vector<208x64xf32>
    %dot_general3A_400 = tpu.matmul %div3A_398, %slice3A_376, %dot_general3A_399 {dimension_numbers = #tpu.dot_dimension_numbers<[1], [0], [0], [1], [0, 0, 1, 1], [], []>, transpose_lhs_hint = false} : vector<208x208xf32>, vector<208x64xf32>, vector<208x64xf32> -> vector<208x64xf32>
    %slice3A_401 = vector.extract_strided_slice %dot_general3A_134 {offsets = [0, 640], sizes = [208, 64], strides = [1, 1]} : vector<208x3072xf32> to vector<208x64xf32>
    %slice3A_402 = vector.extract_strided_slice %dot_general3A_134 {offsets = [0, 1664], sizes = [208, 64], strides = [1, 1]} : vector<208x3072xf32> to vector<208x64xf32>
    %slice3A_403 = vector.extract_strided_slice %dot_general3A_134 {offsets = [0, 2688], sizes = [208, 64], strides = [1, 1]} : vector<208x3072xf32> to vector<208x64xf32>
    %dot_general3A_404 = arith.constant dense<0.000000e+00> : vector<208x208xf32>
    %dot_general3A_405 = tpu.matmul %slice3A_401, %slice3A_402, %dot_general3A_404 {dimension_numbers = #tpu.dot_dimension_numbers<[1], [1], [0], [0], [0, 0, 1, 0], [], []>, transpose_lhs_hint = false} : vector<208x64xf32>, vector<208x64xf32>, vector<208x208xf32> -> vector<208x208xf32>
    %mul3A_406 = arith.constant 1.250000e-01 : f32
    %mul3A_407 = vector.broadcast %mul3A_406 : f32 to vector<208x208xf32>
    %mul3A_408 = arith.mulf %dot_general3A_405, %mul3A_407 : vector<208x208xf32>
    %jit3A_409 = arith.constant -1.000000e+30 : f32
    %broadcast_in_dim3A_410 = vector.broadcast %jit3A_409 : f32 to vector<208x208xf32>
    %select_n3A_411 = arith.select %ge3A, %mul3A_408, %broadcast_in_dim3A_410 : vector<208x208xi1>, vector<208x208xf32>
    %reduce_max3A_412 = arith.constant dense<0xFF800000> : vector<208xf32>
    %reduce_max3A_413 = vector.multi_reduction <maximumf>, %select_n3A_411, %reduce_max3A_412 [1] : vector<208x208xf32> to vector<208xf32>
    %max3A_414 = arith.constant 0xFF800000 : f32
    %max3A_415 = vector.broadcast %max3A_414 : f32 to vector<208xf32>
    %max3A_416 = arith.maximumf %max3A_415, %reduce_max3A_413 : vector<208xf32>
    %broadcast_in_dim3A_417 = vector.shape_cast %max3A_416 : vector<208xf32> to vector<208x1xf32>
    %sub3A_418 = vector.broadcast %broadcast_in_dim3A_417 : vector<208x1xf32> to vector<208x208xf32>
    %sub3A_419 = arith.subf %select_n3A_411, %sub3A_418 : vector<208x208xf32>
    %exp3A_420 = math.exp %sub3A_419 : vector<208x208xf32>
    %reduce_sum3A_421 = arith.constant dense<0.000000e+00> : vector<208xf32>
    %reduce_sum3A_422 = vector.multi_reduction <add>, %exp3A_420, %reduce_sum3A_421 [1] : vector<208x208xf32> to vector<208xf32>
    %broadcast_in_dim3A_423 = vector.shape_cast %reduce_sum3A_422 : vector<208xf32> to vector<208x1xf32>
    %div3A_424 = vector.broadcast %broadcast_in_dim3A_423 : vector<208x1xf32> to vector<208x208xf32>
    %div3A_425 = arith.divf %exp3A_420, %div3A_424 : vector<208x208xf32>
    %dot_general3A_426 = arith.constant dense<0.000000e+00> : vector<208x64xf32>
    %dot_general3A_427 = tpu.matmul %div3A_425, %slice3A_403, %dot_general3A_426 {dimension_numbers = #tpu.dot_dimension_numbers<[1], [0], [0], [1], [0, 0, 1, 1], [], []>, transpose_lhs_hint = false} : vector<208x208xf32>, vector<208x64xf32>, vector<208x64xf32> -> vector<208x64xf32>
    %slice3A_428 = vector.extract_strided_slice %dot_general3A_134 {offsets = [0, 704], sizes = [208, 64], strides = [1, 1]} : vector<208x3072xf32> to vector<208x64xf32>
    %slice3A_429 = vector.extract_strided_slice %dot_general3A_134 {offsets = [0, 1728], sizes = [208, 64], strides = [1, 1]} : vector<208x3072xf32> to vector<208x64xf32>
    %slice3A_430 = vector.extract_strided_slice %dot_general3A_134 {offsets = [0, 2752], sizes = [208, 64], strides = [1, 1]} : vector<208x3072xf32> to vector<208x64xf32>
    %dot_general3A_431 = arith.constant dense<0.000000e+00> : vector<208x208xf32>
    %dot_general3A_432 = tpu.matmul %slice3A_428, %slice3A_429, %dot_general3A_431 {dimension_numbers = #tpu.dot_dimension_numbers<[1], [1], [0], [0], [0, 0, 1, 0], [], []>, transpose_lhs_hint = false} : vector<208x64xf32>, vector<208x64xf32>, vector<208x208xf32> -> vector<208x208xf32>
    %mul3A_433 = arith.constant 1.250000e-01 : f32
    %mul3A_434 = vector.broadcast %mul3A_433 : f32 to vector<208x208xf32>
    %mul3A_435 = arith.mulf %dot_general3A_432, %mul3A_434 : vector<208x208xf32>
    %jit3A_436 = arith.constant -1.000000e+30 : f32
    %broadcast_in_dim3A_437 = vector.broadcast %jit3A_436 : f32 to vector<208x208xf32>
    %select_n3A_438 = arith.select %ge3A, %mul3A_435, %broadcast_in_dim3A_437 : vector<208x208xi1>, vector<208x208xf32>
    %reduce_max3A_439 = arith.constant dense<0xFF800000> : vector<208xf32>
    %reduce_max3A_440 = vector.multi_reduction <maximumf>, %select_n3A_438, %reduce_max3A_439 [1] : vector<208x208xf32> to vector<208xf32>
    %max3A_441 = arith.constant 0xFF800000 : f32
    %max3A_442 = vector.broadcast %max3A_441 : f32 to vector<208xf32>
    %max3A_443 = arith.maximumf %max3A_442, %reduce_max3A_440 : vector<208xf32>
    %broadcast_in_dim3A_444 = vector.shape_cast %max3A_443 : vector<208xf32> to vector<208x1xf32>
    %sub3A_445 = vector.broadcast %broadcast_in_dim3A_444 : vector<208x1xf32> to vector<208x208xf32>
    %sub3A_446 = arith.subf %select_n3A_438, %sub3A_445 : vector<208x208xf32>
    %exp3A_447 = math.exp %sub3A_446 : vector<208x208xf32>
    %reduce_sum3A_448 = arith.constant dense<0.000000e+00> : vector<208xf32>
    %reduce_sum3A_449 = vector.multi_reduction <add>, %exp3A_447, %reduce_sum3A_448 [1] : vector<208x208xf32> to vector<208xf32>
    %broadcast_in_dim3A_450 = vector.shape_cast %reduce_sum3A_449 : vector<208xf32> to vector<208x1xf32>
    %div3A_451 = vector.broadcast %broadcast_in_dim3A_450 : vector<208x1xf32> to vector<208x208xf32>
    %div3A_452 = arith.divf %exp3A_447, %div3A_451 : vector<208x208xf32>
    %dot_general3A_453 = arith.constant dense<0.000000e+00> : vector<208x64xf32>
    %dot_general3A_454 = tpu.matmul %div3A_452, %slice3A_430, %dot_general3A_453 {dimension_numbers = #tpu.dot_dimension_numbers<[1], [0], [0], [1], [0, 0, 1, 1], [], []>, transpose_lhs_hint = false} : vector<208x208xf32>, vector<208x64xf32>, vector<208x64xf32> -> vector<208x64xf32>
    %slice3A_455 = vector.extract_strided_slice %dot_general3A_134 {offsets = [0, 768], sizes = [208, 64], strides = [1, 1]} : vector<208x3072xf32> to vector<208x64xf32>
    %slice3A_456 = vector.extract_strided_slice %dot_general3A_134 {offsets = [0, 1792], sizes = [208, 64], strides = [1, 1]} : vector<208x3072xf32> to vector<208x64xf32>
    %slice3A_457 = vector.extract_strided_slice %dot_general3A_134 {offsets = [0, 2816], sizes = [208, 64], strides = [1, 1]} : vector<208x3072xf32> to vector<208x64xf32>
    %dot_general3A_458 = arith.constant dense<0.000000e+00> : vector<208x208xf32>
    %dot_general3A_459 = tpu.matmul %slice3A_455, %slice3A_456, %dot_general3A_458 {dimension_numbers = #tpu.dot_dimension_numbers<[1], [1], [0], [0], [0, 0, 1, 0], [], []>, transpose_lhs_hint = false} : vector<208x64xf32>, vector<208x64xf32>, vector<208x208xf32> -> vector<208x208xf32>
    %mul3A_460 = arith.constant 1.250000e-01 : f32
    %mul3A_461 = vector.broadcast %mul3A_460 : f32 to vector<208x208xf32>
    %mul3A_462 = arith.mulf %dot_general3A_459, %mul3A_461 : vector<208x208xf32>
    %jit3A_463 = arith.constant -1.000000e+30 : f32
    %broadcast_in_dim3A_464 = vector.broadcast %jit3A_463 : f32 to vector<208x208xf32>
    %select_n3A_465 = arith.select %ge3A, %mul3A_462, %broadcast_in_dim3A_464 : vector<208x208xi1>, vector<208x208xf32>
    %reduce_max3A_466 = arith.constant dense<0xFF800000> : vector<208xf32>
    %reduce_max3A_467 = vector.multi_reduction <maximumf>, %select_n3A_465, %reduce_max3A_466 [1] : vector<208x208xf32> to vector<208xf32>
    %max3A_468 = arith.constant 0xFF800000 : f32
    %max3A_469 = vector.broadcast %max3A_468 : f32 to vector<208xf32>
    %max3A_470 = arith.maximumf %max3A_469, %reduce_max3A_467 : vector<208xf32>
    %broadcast_in_dim3A_471 = vector.shape_cast %max3A_470 : vector<208xf32> to vector<208x1xf32>
    %sub3A_472 = vector.broadcast %broadcast_in_dim3A_471 : vector<208x1xf32> to vector<208x208xf32>
    %sub3A_473 = arith.subf %select_n3A_465, %sub3A_472 : vector<208x208xf32>
    %exp3A_474 = math.exp %sub3A_473 : vector<208x208xf32>
    %reduce_sum3A_475 = arith.constant dense<0.000000e+00> : vector<208xf32>
    %reduce_sum3A_476 = vector.multi_reduction <add>, %exp3A_474, %reduce_sum3A_475 [1] : vector<208x208xf32> to vector<208xf32>
    %broadcast_in_dim3A_477 = vector.shape_cast %reduce_sum3A_476 : vector<208xf32> to vector<208x1xf32>
    %div3A_478 = vector.broadcast %broadcast_in_dim3A_477 : vector<208x1xf32> to vector<208x208xf32>
    %div3A_479 = arith.divf %exp3A_474, %div3A_478 : vector<208x208xf32>
    %dot_general3A_480 = arith.constant dense<0.000000e+00> : vector<208x64xf32>
    %dot_general3A_481 = tpu.matmul %div3A_479, %slice3A_457, %dot_general3A_480 {dimension_numbers = #tpu.dot_dimension_numbers<[1], [0], [0], [1], [0, 0, 1, 1], [], []>, transpose_lhs_hint = false} : vector<208x208xf32>, vector<208x64xf32>, vector<208x64xf32> -> vector<208x64xf32>
    %slice3A_482 = vector.extract_strided_slice %dot_general3A_134 {offsets = [0, 832], sizes = [208, 64], strides = [1, 1]} : vector<208x3072xf32> to vector<208x64xf32>
    %slice3A_483 = vector.extract_strided_slice %dot_general3A_134 {offsets = [0, 1856], sizes = [208, 64], strides = [1, 1]} : vector<208x3072xf32> to vector<208x64xf32>
    %slice3A_484 = vector.extract_strided_slice %dot_general3A_134 {offsets = [0, 2880], sizes = [208, 64], strides = [1, 1]} : vector<208x3072xf32> to vector<208x64xf32>
    %dot_general3A_485 = arith.constant dense<0.000000e+00> : vector<208x208xf32>
    %dot_general3A_486 = tpu.matmul %slice3A_482, %slice3A_483, %dot_general3A_485 {dimension_numbers = #tpu.dot_dimension_numbers<[1], [1], [0], [0], [0, 0, 1, 0], [], []>, transpose_lhs_hint = false} : vector<208x64xf32>, vector<208x64xf32>, vector<208x208xf32> -> vector<208x208xf32>
    %mul3A_487 = arith.constant 1.250000e-01 : f32
    %mul3A_488 = vector.broadcast %mul3A_487 : f32 to vector<208x208xf32>
    %mul3A_489 = arith.mulf %dot_general3A_486, %mul3A_488 : vector<208x208xf32>
    %jit3A_490 = arith.constant -1.000000e+30 : f32
    %broadcast_in_dim3A_491 = vector.broadcast %jit3A_490 : f32 to vector<208x208xf32>
    %select_n3A_492 = arith.select %ge3A, %mul3A_489, %broadcast_in_dim3A_491 : vector<208x208xi1>, vector<208x208xf32>
    %reduce_max3A_493 = arith.constant dense<0xFF800000> : vector<208xf32>
    %reduce_max3A_494 = vector.multi_reduction <maximumf>, %select_n3A_492, %reduce_max3A_493 [1] : vector<208x208xf32> to vector<208xf32>
    %max3A_495 = arith.constant 0xFF800000 : f32
    %max3A_496 = vector.broadcast %max3A_495 : f32 to vector<208xf32>
    %max3A_497 = arith.maximumf %max3A_496, %reduce_max3A_494 : vector<208xf32>
    %broadcast_in_dim3A_498 = vector.shape_cast %max3A_497 : vector<208xf32> to vector<208x1xf32>
    %sub3A_499 = vector.broadcast %broadcast_in_dim3A_498 : vector<208x1xf32> to vector<208x208xf32>
    %sub3A_500 = arith.subf %select_n3A_492, %sub3A_499 : vector<208x208xf32>
    %exp3A_501 = math.exp %sub3A_500 : vector<208x208xf32>
    %reduce_sum3A_502 = arith.constant dense<0.000000e+00> : vector<208xf32>
    %reduce_sum3A_503 = vector.multi_reduction <add>, %exp3A_501, %reduce_sum3A_502 [1] : vector<208x208xf32> to vector<208xf32>
    %broadcast_in_dim3A_504 = vector.shape_cast %reduce_sum3A_503 : vector<208xf32> to vector<208x1xf32>
    %div3A_505 = vector.broadcast %broadcast_in_dim3A_504 : vector<208x1xf32> to vector<208x208xf32>
    %div3A_506 = arith.divf %exp3A_501, %div3A_505 : vector<208x208xf32>
    %dot_general3A_507 = arith.constant dense<0.000000e+00> : vector<208x64xf32>
    %dot_general3A_508 = tpu.matmul %div3A_506, %slice3A_484, %dot_general3A_507 {dimension_numbers = #tpu.dot_dimension_numbers<[1], [0], [0], [1], [0, 0, 1, 1], [], []>, transpose_lhs_hint = false} : vector<208x208xf32>, vector<208x64xf32>, vector<208x64xf32> -> vector<208x64xf32>
    %slice3A_509 = vector.extract_strided_slice %dot_general3A_134 {offsets = [0, 896], sizes = [208, 64], strides = [1, 1]} : vector<208x3072xf32> to vector<208x64xf32>
    %slice3A_510 = vector.extract_strided_slice %dot_general3A_134 {offsets = [0, 1920], sizes = [208, 64], strides = [1, 1]} : vector<208x3072xf32> to vector<208x64xf32>
    %slice3A_511 = vector.extract_strided_slice %dot_general3A_134 {offsets = [0, 2944], sizes = [208, 64], strides = [1, 1]} : vector<208x3072xf32> to vector<208x64xf32>
    %dot_general3A_512 = arith.constant dense<0.000000e+00> : vector<208x208xf32>
    %dot_general3A_513 = tpu.matmul %slice3A_509, %slice3A_510, %dot_general3A_512 {dimension_numbers = #tpu.dot_dimension_numbers<[1], [1], [0], [0], [0, 0, 1, 0], [], []>, transpose_lhs_hint = false} : vector<208x64xf32>, vector<208x64xf32>, vector<208x208xf32> -> vector<208x208xf32>
    %mul3A_514 = arith.constant 1.250000e-01 : f32
    %mul3A_515 = vector.broadcast %mul3A_514 : f32 to vector<208x208xf32>
    %mul3A_516 = arith.mulf %dot_general3A_513, %mul3A_515 : vector<208x208xf32>
    %jit3A_517 = arith.constant -1.000000e+30 : f32
    %broadcast_in_dim3A_518 = vector.broadcast %jit3A_517 : f32 to vector<208x208xf32>
    %select_n3A_519 = arith.select %ge3A, %mul3A_516, %broadcast_in_dim3A_518 : vector<208x208xi1>, vector<208x208xf32>
    %reduce_max3A_520 = arith.constant dense<0xFF800000> : vector<208xf32>
    %reduce_max3A_521 = vector.multi_reduction <maximumf>, %select_n3A_519, %reduce_max3A_520 [1] : vector<208x208xf32> to vector<208xf32>
    %max3A_522 = arith.constant 0xFF800000 : f32
    %max3A_523 = vector.broadcast %max3A_522 : f32 to vector<208xf32>
    %max3A_524 = arith.maximumf %max3A_523, %reduce_max3A_521 : vector<208xf32>
    %broadcast_in_dim3A_525 = vector.shape_cast %max3A_524 : vector<208xf32> to vector<208x1xf32>
    %sub3A_526 = vector.broadcast %broadcast_in_dim3A_525 : vector<208x1xf32> to vector<208x208xf32>
    %sub3A_527 = arith.subf %select_n3A_519, %sub3A_526 : vector<208x208xf32>
    %exp3A_528 = math.exp %sub3A_527 : vector<208x208xf32>
    %reduce_sum3A_529 = arith.constant dense<0.000000e+00> : vector<208xf32>
    %reduce_sum3A_530 = vector.multi_reduction <add>, %exp3A_528, %reduce_sum3A_529 [1] : vector<208x208xf32> to vector<208xf32>
    %broadcast_in_dim3A_531 = vector.shape_cast %reduce_sum3A_530 : vector<208xf32> to vector<208x1xf32>
    %div3A_532 = vector.broadcast %broadcast_in_dim3A_531 : vector<208x1xf32> to vector<208x208xf32>
    %div3A_533 = arith.divf %exp3A_528, %div3A_532 : vector<208x208xf32>
    %dot_general3A_534 = arith.constant dense<0.000000e+00> : vector<208x64xf32>
    %dot_general3A_535 = tpu.matmul %div3A_533, %slice3A_511, %dot_general3A_534 {dimension_numbers = #tpu.dot_dimension_numbers<[1], [0], [0], [1], [0, 0, 1, 1], [], []>, transpose_lhs_hint = false} : vector<208x208xf32>, vector<208x64xf32>, vector<208x64xf32> -> vector<208x64xf32>
    %slice3A_536 = vector.extract_strided_slice %dot_general3A_134 {offsets = [0, 960], sizes = [208, 64], strides = [1, 1]} : vector<208x3072xf32> to vector<208x64xf32>
    %slice3A_537 = vector.extract_strided_slice %dot_general3A_134 {offsets = [0, 1984], sizes = [208, 64], strides = [1, 1]} : vector<208x3072xf32> to vector<208x64xf32>
    %slice3A_538 = vector.extract_strided_slice %dot_general3A_134 {offsets = [0, 3008], sizes = [208, 64], strides = [1, 1]} : vector<208x3072xf32> to vector<208x64xf32>
    %dot_general3A_539 = arith.constant dense<0.000000e+00> : vector<208x208xf32>
    %dot_general3A_540 = tpu.matmul %slice3A_536, %slice3A_537, %dot_general3A_539 {dimension_numbers = #tpu.dot_dimension_numbers<[1], [1], [0], [0], [0, 0, 1, 0], [], []>, transpose_lhs_hint = false} : vector<208x64xf32>, vector<208x64xf32>, vector<208x208xf32> -> vector<208x208xf32>
    %mul3A_541 = arith.constant 1.250000e-01 : f32
    %mul3A_542 = vector.broadcast %mul3A_541 : f32 to vector<208x208xf32>
    %mul3A_543 = arith.mulf %dot_general3A_540, %mul3A_542 : vector<208x208xf32>
    %jit3A_544 = arith.constant -1.000000e+30 : f32
    %broadcast_in_dim3A_545 = vector.broadcast %jit3A_544 : f32 to vector<208x208xf32>
    %select_n3A_546 = arith.select %ge3A, %mul3A_543, %broadcast_in_dim3A_545 : vector<208x208xi1>, vector<208x208xf32>
    %reduce_max3A_547 = arith.constant dense<0xFF800000> : vector<208xf32>
    %reduce_max3A_548 = vector.multi_reduction <maximumf>, %select_n3A_546, %reduce_max3A_547 [1] : vector<208x208xf32> to vector<208xf32>
    %max3A_549 = arith.constant 0xFF800000 : f32
    %max3A_550 = vector.broadcast %max3A_549 : f32 to vector<208xf32>
    %max3A_551 = arith.maximumf %max3A_550, %reduce_max3A_548 : vector<208xf32>
    %broadcast_in_dim3A_552 = vector.shape_cast %max3A_551 : vector<208xf32> to vector<208x1xf32>
    %sub3A_553 = vector.broadcast %broadcast_in_dim3A_552 : vector<208x1xf32> to vector<208x208xf32>
    %sub3A_554 = arith.subf %select_n3A_546, %sub3A_553 : vector<208x208xf32>
    %exp3A_555 = math.exp %sub3A_554 : vector<208x208xf32>
    %reduce_sum3A_556 = arith.constant dense<0.000000e+00> : vector<208xf32>
    %reduce_sum3A_557 = vector.multi_reduction <add>, %exp3A_555, %reduce_sum3A_556 [1] : vector<208x208xf32> to vector<208xf32>
    %broadcast_in_dim3A_558 = vector.shape_cast %reduce_sum3A_557 : vector<208xf32> to vector<208x1xf32>
    %div3A_559 = vector.broadcast %broadcast_in_dim3A_558 : vector<208x1xf32> to vector<208x208xf32>
    %div3A_560 = arith.divf %exp3A_555, %div3A_559 : vector<208x208xf32>
    %dot_general3A_561 = arith.constant dense<0.000000e+00> : vector<208x64xf32>
    %dot_general3A_562 = tpu.matmul %div3A_560, %slice3A_538, %dot_general3A_561 {dimension_numbers = #tpu.dot_dimension_numbers<[1], [0], [0], [1], [0, 0, 1, 1], [], []>, transpose_lhs_hint = false} : vector<208x208xf32>, vector<208x64xf32>, vector<208x64xf32> -> vector<208x64xf32>
    %concatenate3A_563 = tpu.concatenate %dot_general3A_157, %dot_general3A_184, %dot_general3A_211, %dot_general3A_238, %dot_general3A_265, %dot_general3A_292, %dot_general3A_319, %dot_general3A_346, %dot_general3A_373, %dot_general3A_400, %dot_general3A_427, %dot_general3A_454, %dot_general3A_481, %dot_general3A_508, %dot_general3A_535, %dot_general3A_562 in 1 : vector<208x64xf32>, vector<208x64xf32>, vector<208x64xf32>, vector<208x64xf32>, vector<208x64xf32>, vector<208x64xf32>, vector<208x64xf32>, vector<208x64xf32>, vector<208x64xf32>, vector<208x64xf32>, vector<208x64xf32>, vector<208x64xf32>, vector<208x64xf32>, vector<208x64xf32>, vector<208x64xf32>, vector<208x64xf32> -> vector<208x1024xf32>
    %get3A_564 = arith.constant 0 : index
    %get3A_565 = arith.constant 0 : index
    %get3A_566 = vector.load %arg6[%get3A_564, %get3A_565] : memref<1024x1024xf32, #tpu.memory_space<vmem>>, vector<1024x1024xf32>
    %dot_general3A_567 = arith.constant dense<0.000000e+00> : vector<208x1024xf32>
    %dot_general3A_568 = tpu.matmul %concatenate3A_563, %get3A_566, %dot_general3A_567 {dimension_numbers = #tpu.dot_dimension_numbers<[1], [0], [0], [1], [0, 0, 1, 1], [], []>, transpose_lhs_hint = false} : vector<208x1024xf32>, vector<1024x1024xf32>, vector<208x1024xf32> -> vector<208x1024xf32>
    %add3A_569 = arith.addf %concatenate3A, %dot_general3A_568 : vector<208x1024xf32>
    %reduce_sum3A_570 = arith.constant dense<0.000000e+00> : vector<208xf32>
    %reduce_sum3A_571 = vector.multi_reduction <add>, %add3A_569, %reduce_sum3A_570 [1] : vector<208x1024xf32> to vector<208xf32>
    %broadcast_in_dim3A_572 = vector.shape_cast %reduce_sum3A_571 : vector<208xf32> to vector<208x1xf32>
    %div3A_573 = arith.constant 1.024000e+03 : f32
    %div3A_574 = vector.broadcast %div3A_573 : f32 to vector<208x1xf32>
    %div3A_575 = arith.divf %broadcast_in_dim3A_572, %div3A_574 : vector<208x1xf32>
    %sub3A_576 = vector.broadcast %div3A_575 : vector<208x1xf32> to vector<208x1024xf32>
    %sub3A_577 = arith.subf %add3A_569, %sub3A_576 : vector<208x1024xf32>
    %integer_pow3A_578 = arith.mulf %sub3A_577, %sub3A_577 : vector<208x1024xf32>
    %reduce_sum3A_579 = arith.constant dense<0.000000e+00> : vector<208xf32>
    %reduce_sum3A_580 = vector.multi_reduction <add>, %integer_pow3A_578, %reduce_sum3A_579 [1] : vector<208x1024xf32> to vector<208xf32>
    %broadcast_in_dim3A_581 = vector.shape_cast %reduce_sum3A_580 : vector<208xf32> to vector<208x1xf32>
    %div3A_582 = arith.constant 1.024000e+03 : f32
    %div3A_583 = vector.broadcast %div3A_582 : f32 to vector<208x1xf32>
    %div3A_584 = arith.divf %broadcast_in_dim3A_581, %div3A_583 : vector<208x1xf32>
    %sub3A_585 = vector.broadcast %div3A_575 : vector<208x1xf32> to vector<208x1024xf32>
    %sub3A_586 = arith.subf %add3A_569, %sub3A_585 : vector<208x1024xf32>
    %add3A_587 = arith.constant 9.99999974E-6 : f32
    %add3A_588 = vector.broadcast %add3A_587 : f32 to vector<208x1xf32>
    %add3A_589 = arith.addf %div3A_584, %add3A_588 : vector<208x1xf32>
    %rsqrt3A_590 = math.rsqrt %add3A_589 : vector<208x1xf32>
    %mul3A_591 = vector.broadcast %rsqrt3A_590 : vector<208x1xf32> to vector<208x1024xf32>
    %mul3A_592 = arith.mulf %sub3A_586, %mul3A_591 : vector<208x1024xf32>
    %get3A_593 = arith.constant 0 : index
    %get3A_594 = arith.constant 0 : index
    %get3A_595 = vector.load %arg7[%get3A_593, %get3A_594] : memref<1024x4096xf32, #tpu.memory_space<vmem>>, vector<1024x4096xf32>
    %dot_general3A_596 = arith.constant dense<0.000000e+00> : vector<208x4096xf32>
    %dot_general3A_597 = tpu.matmul %mul3A_592, %get3A_595, %dot_general3A_596 {dimension_numbers = #tpu.dot_dimension_numbers<[1], [0], [0], [1], [0, 0, 1, 1], [], []>, transpose_lhs_hint = false} : vector<208x1024xf32>, vector<1024x4096xf32>, vector<208x4096xf32> -> vector<208x4096xf32>
    %integer_pow3A_598 = arith.mulf %dot_general3A_597, %dot_general3A_597 : vector<208x4096xf32>
    %integer_pow3A_599 = arith.mulf %dot_general3A_597, %integer_pow3A_598 : vector<208x4096xf32>
    %mul3A_600 = arith.constant 4.471500e-02 : f32
    %mul3A_601 = vector.broadcast %mul3A_600 : f32 to vector<208x4096xf32>
    %mul3A_602 = arith.mulf %mul3A_601, %integer_pow3A_599 : vector<208x4096xf32>
    %add3A_603 = arith.addf %dot_general3A_597, %mul3A_602 : vector<208x4096xf32>
    %mul3A_604 = arith.constant 0.797884583 : f32
    %mul3A_605 = vector.broadcast %mul3A_604 : f32 to vector<208x4096xf32>
    %mul3A_606 = arith.mulf %mul3A_605, %add3A_603 : vector<208x4096xf32>
    %tanh3A = math.tanh %mul3A_606 : vector<208x4096xf32>
    %add3A_607 = arith.constant 1.000000e+00 : f32
    %add3A_608 = vector.broadcast %add3A_607 : f32 to vector<208x4096xf32>
    %add3A_609 = arith.addf %add3A_608, %tanh3A : vector<208x4096xf32>
    %mul3A_610 = arith.constant 5.000000e-01 : f32
    %mul3A_611 = vector.broadcast %mul3A_610 : f32 to vector<208x4096xf32>
    %mul3A_612 = arith.mulf %mul3A_611, %add3A_609 : vector<208x4096xf32>
    %mul3A_613 = arith.mulf %dot_general3A_597, %mul3A_612 : vector<208x4096xf32>
    %get3A_614 = arith.constant 0 : index
    %get3A_615 = arith.constant 0 : index
    %get3A_616 = vector.load %arg8[%get3A_614, %get3A_615] : memref<4096x1024xf32, #tpu.memory_space<vmem>>, vector<4096x1024xf32>
    %dot_general3A_617 = arith.constant dense<0.000000e+00> : vector<208x1024xf32>
    %dot_general3A_618 = tpu.matmul %mul3A_613, %get3A_616, %dot_general3A_617 {dimension_numbers = #tpu.dot_dimension_numbers<[1], [0], [0], [1], [0, 0, 1, 1], [], []>, transpose_lhs_hint = false} : vector<208x4096xf32>, vector<4096x1024xf32>, vector<208x1024xf32> -> vector<208x1024xf32>
    %add3A_619 = arith.addf %add3A_569, %dot_general3A_618 : vector<208x1024xf32>
    %convert_element_type3A_620 = arith.truncf %add3A_619 : vector<208x1024xf32> to vector<208x1024xbf16>
    %swap3A = arith.constant 0 : index
    %swap3A_621 = arith.constant 0 : index
    %swap3A_622 = vector.load %arg9[%swap3A, %swap3A_621] : memref<208x1024xbf16, #tpu.memory_space<vmem>>, vector<208x1024xbf16>
    tpu.vector_store %arg9[%swap3A, %swap3A_621], %convert_element_type3A_620 {strides = array<i32>} : memref<208x1024xbf16, #tpu.memory_space<vmem>>, vector<208x1024xbf16>,
    return
  }
  func.func @transform_0(%arg0: i32) -> (i32, i32, i32) {
    %c0_i32 = arith.constant 0 : i32
    %c0_i32_0 = arith.constant 0 : i32
    %c0_i32_1 = arith.constant 0 : i32
    return %arg0, %c0_i32, %c0_i32_0 : i32, i32, i32
  }
  func.func @transform_1(%arg0: i32) -> (i32, i32) {
    %c0_i32 = arith.constant 0 : i32
    %c0_i32_0 = arith.constant 0 : i32
    %c0_i32_1 = arith.constant 0 : i32
    return %c0_i32, %c0_i32_0 : i32, i32
  }
  func.func @transform_2(%arg0: i32) -> (i32, i32) {
    %c0_i32 = arith.constant 0 : i32
    %c0_i32_0 = arith.constant 0 : i32
    %c0_i32_1 = arith.constant 0 : i32
    return %c0_i32, %c0_i32_0 : i32, i32
  }
  func.func @transform_3(%arg0: i32) -> (i32, i32) {
    %c0_i32 = arith.constant 0 : i32
    %c0_i32_0 = arith.constant 0 : i32
    %c0_i32_1 = arith.constant 0 : i32
    return %c0_i32, %c0_i32_0 : i32, i32
  }
  func.func @transform_4(%arg0: i32) -> (i32, i32) {
    %c0_i32 = arith.constant 0 : i32
    %c0_i32_0 = arith.constant 0 : i32
    %c0_i32_1 = arith.constant 0 : i32
    return %c0_i32, %c0_i32_0 : i32, i32
  }
  func.func @transform_5(%arg0: i32) -> (i32, i32) {
    %c0_i32 = arith.constant 0 : i32
    %c0_i32_0 = arith.constant 0 : i32
    %c0_i32_1 = arith.constant 0 : i32
    return %c0_i32, %c0_i32_0 : i32, i32
  }
  func.func @transform_6(%arg0: i32) -> (i32, i32) {
    %c0_i32 = arith.constant 0 : i32
    %c0_i32_0 = arith.constant 0 : i32
    %c0_i32_1 = arith.constant 0 : i32
    return %c0_i32, %c0_i32_0 : i32, i32
  }
  func.func @transform_7(%arg0: i32) -> (i32, i32) {
    %c0_i32 = arith.constant 0 : i32
    %c0_i32_0 = arith.constant 0 : i32
    %c0_i32_1 = arith.constant 0 : i32
    return %c0_i32, %c0_i32_0 : i32, i32
  }
  func.func @transform_8(%arg0: i32) -> (i32, i32) {
    %c0_i32 = arith.constant 0 : i32
    %c0_i32_0 = arith.constant 0 : i32
    return %arg0, %c0_i32 : i32, i32
  }
}

module attributes {stable_mosaic.version = 14 : i64} {
  func.func @_head_body(%arg0: i32, %arg1: memref<4xi32, #tpu.memory_space<smem>>, %arg2: memref<832x1024xbf16, #tpu.memory_space<vmem>>, %arg3: memref<1024x3200xf32, #tpu.memory_space<vmem>>, %arg4: memref<4x201x3200xf32, #tpu.memory_space<vmem>>, %arg5: memref<1x1xf32, #tpu.memory_space<smem>>, %arg6: memref<4xf32, #tpu.memory_space<smem>>, %arg7: memref<4xf32, #tpu.memory_space<smem>>, %arg8: memref<4xf32, #tpu.memory_space<smem>>) attributes {dimension_semantics = [#tpu.dimension_semantics<arbitrary>], iteration_bounds = array<i64: 10>, scalar_prefetch = 0 : i64, scratch_operands = 3 : i64, tpu.core_type = #tpu.core_type<tc>, window_params = [{transform_indices = @transform_0, window_bounds = array<i64: 4>}, {pipeline_mode = #tpu.pipeline_mode<synchronous>, transform_indices = @transform_1, window_bounds = array<i64: 832, 1024>}, {transform_indices = @transform_2, window_bounds = array<i64: 1024, 3200>}, {transform_indices = @transform_3, window_bounds = array<i64: 4, 201, 3200>}, {transform_indices = @transform_4, window_bounds = array<i64: 1, 1>}]} {
    %get3A = arith.constant 0 : index
    %get3A_0 = arith.constant 0 : index
    %get3A_1 = vector.load %arg2[%get3A, %get3A_0] : memref<832x1024xbf16, #tpu.memory_space<vmem>>, vector<832x1024xbf16>
    %get3A_2 = arith.constant 0 : index
    %get3A_3 = arith.constant 0 : index
    %get3A_4 = vector.load %arg3[%get3A_2, %get3A_3] : memref<1024x3200xf32, #tpu.memory_space<vmem>>, vector<1024x3200xf32>
    %convert_element_type3A = arith.truncf %get3A_4 : vector<1024x3200xf32> to vector<1024x3200xbf16>
    %dot_general3A = arith.constant dense<0.000000e+00> : vector<832x3200xf32>
    %dot_general3A_5 = tpu.matmul %get3A_1, %convert_element_type3A, %dot_general3A {dimension_numbers = #tpu.dot_dimension_numbers<[1], [0], [0], [1], [0, 0, 1, 1], [], []>, transpose_lhs_hint = false} : vector<832x1024xbf16>, vector<1024x3200xbf16>, vector<832x3200xf32> -> vector<832x3200xf32>
    %iota3A = tpu.iota {dimensions = array<i32: 1>} : vector<1x3200xi32>
    %iota3A_6 = vector.shape_cast %iota3A : vector<1x3200xi32> to vector<3200xi32>
    %slice3A = vector.extract_strided_slice %dot_general3A_5 {offsets = [0, 0], sizes = [201, 3200], strides = [1, 1]} : vector<832x3200xf32> to vector<201x3200xf32>
    %swap3A = arith.constant 0 : index
    %swap3A_7 = arith.constant 0 : index
    %swap3A_8 = arith.constant 0 : index
    %swap3A_9 = vector.load %arg4[%swap3A, %swap3A_7, %swap3A_8] : memref<4x201x3200xf32, #tpu.memory_space<vmem>>, vector<1x201x3200xf32>
    %swap3A_10 = vector.shape_cast %swap3A_9 : vector<1x201x3200xf32> to vector<201x3200xf32>
    %swap3A_11 = vector.shape_cast %slice3A : vector<201x3200xf32> to vector<1x201x3200xf32>
    tpu.vector_store %arg4[%swap3A, %swap3A_7, %swap3A_8], %swap3A_11 {strides = array<i32>} : memref<4x201x3200xf32, #tpu.memory_space<vmem>>, vector<1x201x3200xf32>,
    %slice3A_12 = vector.extract_strided_slice %dot_general3A_5 {offsets = [200, 0], sizes = [1, 3200], strides = [1, 1]} : vector<832x3200xf32> to vector<1x3200xf32>
    %squeeze3A = vector.shape_cast %slice3A_12 : vector<1x3200xf32> to vector<3200xf32>
    %reduce_max3A = vector.shape_cast %squeeze3A : vector<3200xf32> to vector<1x3200xf32>
    %reduce_max3A_13 = arith.constant dense<0xFF800000> : vector<1xf32>
    %reduce_max3A_14 = vector.multi_reduction <maximumf>, %reduce_max3A, %reduce_max3A_13 [1] : vector<1x3200xf32> to vector<1xf32>
    %reduce_max3A_15 = vector.shape_cast %reduce_max3A_14 : vector<1xf32> to vector<1x1xf32>
    %reduce_max3A_16 = vector.extract %reduce_max3A_15[0, 0] : f32 from vector<1x1xf32>
    %get3A_17 = arith.constant 0 : index
    %get3A_18 = memref.load %arg1[%get3A_17] : memref<4xi32, #tpu.memory_space<smem>>
    %mul3A = arith.constant 3200 : i32
    %mul3A_19 = arith.muli %arg0, %mul3A : i32
    %sub3A = arith.subi %get3A_18, %mul3A_19 : i32
    %ge3A = arith.constant 0 : i32
    %ge3A_20 = arith.cmpi sge, %sub3A, %ge3A : i32
    %lt3A = arith.constant 3200 : i32
    %lt3A_21 = arith.cmpi slt, %sub3A, %lt3A : i32
    %and3A = arith.andi %ge3A_20, %lt3A_21 : i1
    %eq3A = vector.broadcast %sub3A : i32 to vector<3200xi32>
    %eq3A_22 = arith.cmpi eq, %iota3A_6, %eq3A : vector<3200xi32>
    %jit3A = arith.constant 0.000000e+00 : f32
    %broadcast_in_dim3A = vector.broadcast %jit3A : f32 to vector<3200xf32>
    %select_n3A = arith.select %eq3A_22, %squeeze3A, %broadcast_in_dim3A : vector<3200xi1>, vector<3200xf32>
    %reduce_sum3A = vector.shape_cast %select_n3A : vector<3200xf32> to vector<1x3200xf32>
    %reduce_sum3A_23 = arith.constant dense<0.000000e+00> : vector<1xf32>
    %reduce_sum3A_24 = vector.multi_reduction <add>, %reduce_sum3A, %reduce_sum3A_23 [1] : vector<1x3200xf32> to vector<1xf32>
    %reduce_sum3A_25 = vector.shape_cast %reduce_sum3A_24 : vector<1xf32> to vector<1x1xf32>
    %reduce_sum3A_26 = vector.extract %reduce_sum3A_25[0, 0] : f32 from vector<1x1xf32>
    %jit3A_27 = arith.constant 0.000000e+00 : f32
    %select_n3A_28 = arith.select %and3A, %reduce_sum3A_26, %jit3A_27 : f32
    %eq3A_29 = arith.constant 0 : i32
    %eq3A_30 = arith.cmpi eq, %arg0, %eq3A_29 : i32
    %convert_element_type3A_31 = arith.extui %eq3A_30 : i1 to i32
    %cond3A = arith.constant 0 : i32
    %cond3A_32 = arith.cmpi ne, %convert_element_type3A_31, %cond3A : i32
    scf.if %cond3A_32 {
      %swap3A_180 = arith.constant 0 : index
      %swap3A_181 = memref.load %arg6[%swap3A_180] : memref<4xf32, #tpu.memory_space<smem>>
      memref.store %reduce_max3A_16, %arg6[%swap3A_180] : memref<4xf32, #tpu.memory_space<smem>>
      %sub3A_182 = vector.broadcast %reduce_max3A_16 : f32 to vector<3200xf32>
      %sub3A_183 = arith.subf %squeeze3A, %sub3A_182 : vector<3200xf32>
      %exp3A = math.exp %sub3A_183 : vector<3200xf32>
      %reduce_sum3A_184 = vector.shape_cast %exp3A : vector<3200xf32> to vector<1x3200xf32>
      %reduce_sum3A_185 = arith.constant dense<0.000000e+00> : vector<1xf32>
      %reduce_sum3A_186 = vector.multi_reduction <add>, %reduce_sum3A_184, %reduce_sum3A_185 [1] : vector<1x3200xf32> to vector<1xf32>
      %reduce_sum3A_187 = vector.shape_cast %reduce_sum3A_186 : vector<1xf32> to vector<1x1xf32>
      %reduce_sum3A_188 = vector.extract %reduce_sum3A_187[0, 0] : f32 from vector<1x1xf32>
      %swap3A_189 = arith.constant 0 : index
      %swap3A_190 = memref.load %arg7[%swap3A_189] : memref<4xf32, #tpu.memory_space<smem>>
      memref.store %reduce_sum3A_188, %arg7[%swap3A_189] : memref<4xf32, #tpu.memory_space<smem>>
      %swap3A_191 = arith.constant 0 : index
      %swap3A_192 = memref.load %arg8[%swap3A_191] : memref<4xf32, #tpu.memory_space<smem>>
      memref.store %select_n3A_28, %arg8[%swap3A_191] : memref<4xf32, #tpu.memory_space<smem>>
    } else {
    }
    %gt3A = arith.constant 0 : i32
    %gt3A_33 = arith.cmpi sgt, %arg0, %gt3A : i32
    %convert_element_type3A_34 = arith.extui %gt3A_33 : i1 to i32
    %cond3A_35 = arith.constant 0 : i32
    %cond3A_36 = arith.cmpi ne, %convert_element_type3A_34, %cond3A_35 : i32
    scf.if %cond3A_36 {
      %get3A_180 = arith.constant 0 : index
      %get3A_181 = memref.load %arg6[%get3A_180] : memref<4xf32, #tpu.memory_space<smem>>
      %max3A = arith.maximumf %get3A_181, %reduce_max3A_16 : f32
      %swap3A_182 = arith.constant 0 : index
      %swap3A_183 = memref.load %arg6[%swap3A_182] : memref<4xf32, #tpu.memory_space<smem>>
      memref.store %max3A, %arg6[%swap3A_182] : memref<4xf32, #tpu.memory_space<smem>>
      %get3A_184 = arith.constant 0 : index
      %get3A_185 = memref.load %arg7[%get3A_184] : memref<4xf32, #tpu.memory_space<smem>>
      %sub3A_186 = arith.subf %get3A_181, %max3A : f32
      %exp3A = math.exp %sub3A_186 : f32
      %mul3A_187 = arith.mulf %get3A_185, %exp3A : f32
      %sub3A_188 = vector.broadcast %max3A : f32 to vector<3200xf32>
      %sub3A_189 = arith.subf %squeeze3A, %sub3A_188 : vector<3200xf32>
      %exp3A_190 = math.exp %sub3A_189 : vector<3200xf32>
      %reduce_sum3A_191 = vector.shape_cast %exp3A_190 : vector<3200xf32> to vector<1x3200xf32>
      %reduce_sum3A_192 = arith.constant dense<0.000000e+00> : vector<1xf32>
      %reduce_sum3A_193 = vector.multi_reduction <add>, %reduce_sum3A_191, %reduce_sum3A_192 [1] : vector<1x3200xf32> to vector<1xf32>
      %reduce_sum3A_194 = vector.shape_cast %reduce_sum3A_193 : vector<1xf32> to vector<1x1xf32>
      %reduce_sum3A_195 = vector.extract %reduce_sum3A_194[0, 0] : f32 from vector<1x1xf32>
      %add3A = arith.addf %mul3A_187, %reduce_sum3A_195 : f32
      %swap3A_196 = arith.constant 0 : index
      %swap3A_197 = memref.load %arg7[%swap3A_196] : memref<4xf32, #tpu.memory_space<smem>>
      memref.store %add3A, %arg7[%swap3A_196] : memref<4xf32, #tpu.memory_space<smem>>
      %get3A_198 = arith.constant 0 : index
      %get3A_199 = memref.load %arg8[%get3A_198] : memref<4xf32, #tpu.memory_space<smem>>
      %add3A_200 = arith.addf %get3A_199, %select_n3A_28 : f32
      %swap3A_201 = arith.constant 0 : index
      %swap3A_202 = memref.load %arg8[%swap3A_201] : memref<4xf32, #tpu.memory_space<smem>>
      memref.store %add3A_200, %arg8[%swap3A_201] : memref<4xf32, #tpu.memory_space<smem>>
    } else {
    }
    %slice3A_37 = vector.extract_strided_slice %dot_general3A_5 {offsets = [208, 0], sizes = [201, 3200], strides = [1, 1]} : vector<832x3200xf32> to vector<201x3200xf32>
    %swap3A_38 = arith.constant 1 : index
    %swap3A_39 = arith.constant 0 : index
    %swap3A_40 = arith.constant 0 : index
    %swap3A_41 = vector.load %arg4[%swap3A_38, %swap3A_39, %swap3A_40] : memref<4x201x3200xf32, #tpu.memory_space<vmem>>, vector<1x201x3200xf32>
    %swap3A_42 = vector.shape_cast %swap3A_41 : vector<1x201x3200xf32> to vector<201x3200xf32>
    %swap3A_43 = vector.shape_cast %slice3A_37 : vector<201x3200xf32> to vector<1x201x3200xf32>
    tpu.vector_store %arg4[%swap3A_38, %swap3A_39, %swap3A_40], %swap3A_43 {strides = array<i32>} : memref<4x201x3200xf32, #tpu.memory_space<vmem>>, vector<1x201x3200xf32>,
    %slice3A_44 = vector.extract_strided_slice %dot_general3A_5 {offsets = [408, 0], sizes = [1, 3200], strides = [1, 1]} : vector<832x3200xf32> to vector<1x3200xf32>
    %squeeze3A_45 = vector.shape_cast %slice3A_44 : vector<1x3200xf32> to vector<3200xf32>
    %reduce_max3A_46 = vector.shape_cast %squeeze3A_45 : vector<3200xf32> to vector<1x3200xf32>
    %reduce_max3A_47 = arith.constant dense<0xFF800000> : vector<1xf32>
    %reduce_max3A_48 = vector.multi_reduction <maximumf>, %reduce_max3A_46, %reduce_max3A_47 [1] : vector<1x3200xf32> to vector<1xf32>
    %reduce_max3A_49 = vector.shape_cast %reduce_max3A_48 : vector<1xf32> to vector<1x1xf32>
    %reduce_max3A_50 = vector.extract %reduce_max3A_49[0, 0] : f32 from vector<1x1xf32>
    %get3A_51 = arith.constant 1 : index
    %get3A_52 = memref.load %arg1[%get3A_51] : memref<4xi32, #tpu.memory_space<smem>>
    %mul3A_53 = arith.constant 3200 : i32
    %mul3A_54 = arith.muli %arg0, %mul3A_53 : i32
    %sub3A_55 = arith.subi %get3A_52, %mul3A_54 : i32
    %ge3A_56 = arith.constant 0 : i32
    %ge3A_57 = arith.cmpi sge, %sub3A_55, %ge3A_56 : i32
    %lt3A_58 = arith.constant 3200 : i32
    %lt3A_59 = arith.cmpi slt, %sub3A_55, %lt3A_58 : i32
    %and3A_60 = arith.andi %ge3A_57, %lt3A_59 : i1
    %eq3A_61 = vector.broadcast %sub3A_55 : i32 to vector<3200xi32>
    %eq3A_62 = arith.cmpi eq, %iota3A_6, %eq3A_61 : vector<3200xi32>
    %jit3A_63 = arith.constant 0.000000e+00 : f32
    %broadcast_in_dim3A_64 = vector.broadcast %jit3A_63 : f32 to vector<3200xf32>
    %select_n3A_65 = arith.select %eq3A_62, %squeeze3A_45, %broadcast_in_dim3A_64 : vector<3200xi1>, vector<3200xf32>
    %reduce_sum3A_66 = vector.shape_cast %select_n3A_65 : vector<3200xf32> to vector<1x3200xf32>
    %reduce_sum3A_67 = arith.constant dense<0.000000e+00> : vector<1xf32>
    %reduce_sum3A_68 = vector.multi_reduction <add>, %reduce_sum3A_66, %reduce_sum3A_67 [1] : vector<1x3200xf32> to vector<1xf32>
    %reduce_sum3A_69 = vector.shape_cast %reduce_sum3A_68 : vector<1xf32> to vector<1x1xf32>
    %reduce_sum3A_70 = vector.extract %reduce_sum3A_69[0, 0] : f32 from vector<1x1xf32>
    %jit3A_71 = arith.constant 0.000000e+00 : f32
    %select_n3A_72 = arith.select %and3A_60, %reduce_sum3A_70, %jit3A_71 : f32
    %eq3A_73 = arith.constant 0 : i32
    %eq3A_74 = arith.cmpi eq, %arg0, %eq3A_73 : i32
    %convert_element_type3A_75 = arith.extui %eq3A_74 : i1 to i32
    %cond3A_76 = arith.constant 0 : i32
    %cond3A_77 = arith.cmpi ne, %convert_element_type3A_75, %cond3A_76 : i32
    scf.if %cond3A_77 {
      %swap3A_180 = arith.constant 1 : index
      %swap3A_181 = memref.load %arg6[%swap3A_180] : memref<4xf32, #tpu.memory_space<smem>>
      memref.store %reduce_max3A_50, %arg6[%swap3A_180] : memref<4xf32, #tpu.memory_space<smem>>
      %sub3A_182 = vector.broadcast %reduce_max3A_50 : f32 to vector<3200xf32>
      %sub3A_183 = arith.subf %squeeze3A_45, %sub3A_182 : vector<3200xf32>
      %exp3A = math.exp %sub3A_183 : vector<3200xf32>
      %reduce_sum3A_184 = vector.shape_cast %exp3A : vector<3200xf32> to vector<1x3200xf32>
      %reduce_sum3A_185 = arith.constant dense<0.000000e+00> : vector<1xf32>
      %reduce_sum3A_186 = vector.multi_reduction <add>, %reduce_sum3A_184, %reduce_sum3A_185 [1] : vector<1x3200xf32> to vector<1xf32>
      %reduce_sum3A_187 = vector.shape_cast %reduce_sum3A_186 : vector<1xf32> to vector<1x1xf32>
      %reduce_sum3A_188 = vector.extract %reduce_sum3A_187[0, 0] : f32 from vector<1x1xf32>
      %swap3A_189 = arith.constant 1 : index
      %swap3A_190 = memref.load %arg7[%swap3A_189] : memref<4xf32, #tpu.memory_space<smem>>
      memref.store %reduce_sum3A_188, %arg7[%swap3A_189] : memref<4xf32, #tpu.memory_space<smem>>
      %swap3A_191 = arith.constant 1 : index
      %swap3A_192 = memref.load %arg8[%swap3A_191] : memref<4xf32, #tpu.memory_space<smem>>
      memref.store %select_n3A_72, %arg8[%swap3A_191] : memref<4xf32, #tpu.memory_space<smem>>
    } else {
    }
    %gt3A_78 = arith.constant 0 : i32
    %gt3A_79 = arith.cmpi sgt, %arg0, %gt3A_78 : i32
    %convert_element_type3A_80 = arith.extui %gt3A_79 : i1 to i32
    %cond3A_81 = arith.constant 0 : i32
    %cond3A_82 = arith.cmpi ne, %convert_element_type3A_80, %cond3A_81 : i32
    scf.if %cond3A_82 {
      %get3A_180 = arith.constant 1 : index
      %get3A_181 = memref.load %arg6[%get3A_180] : memref<4xf32, #tpu.memory_space<smem>>
      %max3A = arith.maximumf %get3A_181, %reduce_max3A_50 : f32
      %swap3A_182 = arith.constant 1 : index
      %swap3A_183 = memref.load %arg6[%swap3A_182] : memref<4xf32, #tpu.memory_space<smem>>
      memref.store %max3A, %arg6[%swap3A_182] : memref<4xf32, #tpu.memory_space<smem>>
      %get3A_184 = arith.constant 1 : index
      %get3A_185 = memref.load %arg7[%get3A_184] : memref<4xf32, #tpu.memory_space<smem>>
      %sub3A_186 = arith.subf %get3A_181, %max3A : f32
      %exp3A = math.exp %sub3A_186 : f32
      %mul3A_187 = arith.mulf %get3A_185, %exp3A : f32
      %sub3A_188 = vector.broadcast %max3A : f32 to vector<3200xf32>
      %sub3A_189 = arith.subf %squeeze3A_45, %sub3A_188 : vector<3200xf32>
      %exp3A_190 = math.exp %sub3A_189 : vector<3200xf32>
      %reduce_sum3A_191 = vector.shape_cast %exp3A_190 : vector<3200xf32> to vector<1x3200xf32>
      %reduce_sum3A_192 = arith.constant dense<0.000000e+00> : vector<1xf32>
      %reduce_sum3A_193 = vector.multi_reduction <add>, %reduce_sum3A_191, %reduce_sum3A_192 [1] : vector<1x3200xf32> to vector<1xf32>
      %reduce_sum3A_194 = vector.shape_cast %reduce_sum3A_193 : vector<1xf32> to vector<1x1xf32>
      %reduce_sum3A_195 = vector.extract %reduce_sum3A_194[0, 0] : f32 from vector<1x1xf32>
      %add3A = arith.addf %mul3A_187, %reduce_sum3A_195 : f32
      %swap3A_196 = arith.constant 1 : index
      %swap3A_197 = memref.load %arg7[%swap3A_196] : memref<4xf32, #tpu.memory_space<smem>>
      memref.store %add3A, %arg7[%swap3A_196] : memref<4xf32, #tpu.memory_space<smem>>
      %get3A_198 = arith.constant 1 : index
      %get3A_199 = memref.load %arg8[%get3A_198] : memref<4xf32, #tpu.memory_space<smem>>
      %add3A_200 = arith.addf %get3A_199, %select_n3A_72 : f32
      %swap3A_201 = arith.constant 1 : index
      %swap3A_202 = memref.load %arg8[%swap3A_201] : memref<4xf32, #tpu.memory_space<smem>>
      memref.store %add3A_200, %arg8[%swap3A_201] : memref<4xf32, #tpu.memory_space<smem>>
    } else {
    }
    %slice3A_83 = vector.extract_strided_slice %dot_general3A_5 {offsets = [416, 0], sizes = [201, 3200], strides = [1, 1]} : vector<832x3200xf32> to vector<201x3200xf32>
    %swap3A_84 = arith.constant 2 : index
    %swap3A_85 = arith.constant 0 : index
    %swap3A_86 = arith.constant 0 : index
    %swap3A_87 = vector.load %arg4[%swap3A_84, %swap3A_85, %swap3A_86] : memref<4x201x3200xf32, #tpu.memory_space<vmem>>, vector<1x201x3200xf32>
    %swap3A_88 = vector.shape_cast %swap3A_87 : vector<1x201x3200xf32> to vector<201x3200xf32>
    %swap3A_89 = vector.shape_cast %slice3A_83 : vector<201x3200xf32> to vector<1x201x3200xf32>
    tpu.vector_store %arg4[%swap3A_84, %swap3A_85, %swap3A_86], %swap3A_89 {strides = array<i32>} : memref<4x201x3200xf32, #tpu.memory_space<vmem>>, vector<1x201x3200xf32>,
    %slice3A_90 = vector.extract_strided_slice %dot_general3A_5 {offsets = [616, 0], sizes = [1, 3200], strides = [1, 1]} : vector<832x3200xf32> to vector<1x3200xf32>
    %squeeze3A_91 = vector.shape_cast %slice3A_90 : vector<1x3200xf32> to vector<3200xf32>
    %reduce_max3A_92 = vector.shape_cast %squeeze3A_91 : vector<3200xf32> to vector<1x3200xf32>
    %reduce_max3A_93 = arith.constant dense<0xFF800000> : vector<1xf32>
    %reduce_max3A_94 = vector.multi_reduction <maximumf>, %reduce_max3A_92, %reduce_max3A_93 [1] : vector<1x3200xf32> to vector<1xf32>
    %reduce_max3A_95 = vector.shape_cast %reduce_max3A_94 : vector<1xf32> to vector<1x1xf32>
    %reduce_max3A_96 = vector.extract %reduce_max3A_95[0, 0] : f32 from vector<1x1xf32>
    %get3A_97 = arith.constant 2 : index
    %get3A_98 = memref.load %arg1[%get3A_97] : memref<4xi32, #tpu.memory_space<smem>>
    %mul3A_99 = arith.constant 3200 : i32
    %mul3A_100 = arith.muli %arg0, %mul3A_99 : i32
    %sub3A_101 = arith.subi %get3A_98, %mul3A_100 : i32
    %ge3A_102 = arith.constant 0 : i32
    %ge3A_103 = arith.cmpi sge, %sub3A_101, %ge3A_102 : i32
    %lt3A_104 = arith.constant 3200 : i32
    %lt3A_105 = arith.cmpi slt, %sub3A_101, %lt3A_104 : i32
    %and3A_106 = arith.andi %ge3A_103, %lt3A_105 : i1
    %eq3A_107 = vector.broadcast %sub3A_101 : i32 to vector<3200xi32>
    %eq3A_108 = arith.cmpi eq, %iota3A_6, %eq3A_107 : vector<3200xi32>
    %jit3A_109 = arith.constant 0.000000e+00 : f32
    %broadcast_in_dim3A_110 = vector.broadcast %jit3A_109 : f32 to vector<3200xf32>
    %select_n3A_111 = arith.select %eq3A_108, %squeeze3A_91, %broadcast_in_dim3A_110 : vector<3200xi1>, vector<3200xf32>
    %reduce_sum3A_112 = vector.shape_cast %select_n3A_111 : vector<3200xf32> to vector<1x3200xf32>
    %reduce_sum3A_113 = arith.constant dense<0.000000e+00> : vector<1xf32>
    %reduce_sum3A_114 = vector.multi_reduction <add>, %reduce_sum3A_112, %reduce_sum3A_113 [1] : vector<1x3200xf32> to vector<1xf32>
    %reduce_sum3A_115 = vector.shape_cast %reduce_sum3A_114 : vector<1xf32> to vector<1x1xf32>
    %reduce_sum3A_116 = vector.extract %reduce_sum3A_115[0, 0] : f32 from vector<1x1xf32>
    %jit3A_117 = arith.constant 0.000000e+00 : f32
    %select_n3A_118 = arith.select %and3A_106, %reduce_sum3A_116, %jit3A_117 : f32
    %eq3A_119 = arith.constant 0 : i32
    %eq3A_120 = arith.cmpi eq, %arg0, %eq3A_119 : i32
    %convert_element_type3A_121 = arith.extui %eq3A_120 : i1 to i32
    %cond3A_122 = arith.constant 0 : i32
    %cond3A_123 = arith.cmpi ne, %convert_element_type3A_121, %cond3A_122 : i32
    scf.if %cond3A_123 {
      %swap3A_180 = arith.constant 2 : index
      %swap3A_181 = memref.load %arg6[%swap3A_180] : memref<4xf32, #tpu.memory_space<smem>>
      memref.store %reduce_max3A_96, %arg6[%swap3A_180] : memref<4xf32, #tpu.memory_space<smem>>
      %sub3A_182 = vector.broadcast %reduce_max3A_96 : f32 to vector<3200xf32>
      %sub3A_183 = arith.subf %squeeze3A_91, %sub3A_182 : vector<3200xf32>
      %exp3A = math.exp %sub3A_183 : vector<3200xf32>
      %reduce_sum3A_184 = vector.shape_cast %exp3A : vector<3200xf32> to vector<1x3200xf32>
      %reduce_sum3A_185 = arith.constant dense<0.000000e+00> : vector<1xf32>
      %reduce_sum3A_186 = vector.multi_reduction <add>, %reduce_sum3A_184, %reduce_sum3A_185 [1] : vector<1x3200xf32> to vector<1xf32>
      %reduce_sum3A_187 = vector.shape_cast %reduce_sum3A_186 : vector<1xf32> to vector<1x1xf32>
      %reduce_sum3A_188 = vector.extract %reduce_sum3A_187[0, 0] : f32 from vector<1x1xf32>
      %swap3A_189 = arith.constant 2 : index
      %swap3A_190 = memref.load %arg7[%swap3A_189] : memref<4xf32, #tpu.memory_space<smem>>
      memref.store %reduce_sum3A_188, %arg7[%swap3A_189] : memref<4xf32, #tpu.memory_space<smem>>
      %swap3A_191 = arith.constant 2 : index
      %swap3A_192 = memref.load %arg8[%swap3A_191] : memref<4xf32, #tpu.memory_space<smem>>
      memref.store %select_n3A_118, %arg8[%swap3A_191] : memref<4xf32, #tpu.memory_space<smem>>
    } else {
    }
    %gt3A_124 = arith.constant 0 : i32
    %gt3A_125 = arith.cmpi sgt, %arg0, %gt3A_124 : i32
    %convert_element_type3A_126 = arith.extui %gt3A_125 : i1 to i32
    %cond3A_127 = arith.constant 0 : i32
    %cond3A_128 = arith.cmpi ne, %convert_element_type3A_126, %cond3A_127 : i32
    scf.if %cond3A_128 {
      %get3A_180 = arith.constant 2 : index
      %get3A_181 = memref.load %arg6[%get3A_180] : memref<4xf32, #tpu.memory_space<smem>>
      %max3A = arith.maximumf %get3A_181, %reduce_max3A_96 : f32
      %swap3A_182 = arith.constant 2 : index
      %swap3A_183 = memref.load %arg6[%swap3A_182] : memref<4xf32, #tpu.memory_space<smem>>
      memref.store %max3A, %arg6[%swap3A_182] : memref<4xf32, #tpu.memory_space<smem>>
      %get3A_184 = arith.constant 2 : index
      %get3A_185 = memref.load %arg7[%get3A_184] : memref<4xf32, #tpu.memory_space<smem>>
      %sub3A_186 = arith.subf %get3A_181, %max3A : f32
      %exp3A = math.exp %sub3A_186 : f32
      %mul3A_187 = arith.mulf %get3A_185, %exp3A : f32
      %sub3A_188 = vector.broadcast %max3A : f32 to vector<3200xf32>
      %sub3A_189 = arith.subf %squeeze3A_91, %sub3A_188 : vector<3200xf32>
      %exp3A_190 = math.exp %sub3A_189 : vector<3200xf32>
      %reduce_sum3A_191 = vector.shape_cast %exp3A_190 : vector<3200xf32> to vector<1x3200xf32>
      %reduce_sum3A_192 = arith.constant dense<0.000000e+00> : vector<1xf32>
      %reduce_sum3A_193 = vector.multi_reduction <add>, %reduce_sum3A_191, %reduce_sum3A_192 [1] : vector<1x3200xf32> to vector<1xf32>
      %reduce_sum3A_194 = vector.shape_cast %reduce_sum3A_193 : vector<1xf32> to vector<1x1xf32>
      %reduce_sum3A_195 = vector.extract %reduce_sum3A_194[0, 0] : f32 from vector<1x1xf32>
      %add3A = arith.addf %mul3A_187, %reduce_sum3A_195 : f32
      %swap3A_196 = arith.constant 2 : index
      %swap3A_197 = memref.load %arg7[%swap3A_196] : memref<4xf32, #tpu.memory_space<smem>>
      memref.store %add3A, %arg7[%swap3A_196] : memref<4xf32, #tpu.memory_space<smem>>
      %get3A_198 = arith.constant 2 : index
      %get3A_199 = memref.load %arg8[%get3A_198] : memref<4xf32, #tpu.memory_space<smem>>
      %add3A_200 = arith.addf %get3A_199, %select_n3A_118 : f32
      %swap3A_201 = arith.constant 2 : index
      %swap3A_202 = memref.load %arg8[%swap3A_201] : memref<4xf32, #tpu.memory_space<smem>>
      memref.store %add3A_200, %arg8[%swap3A_201] : memref<4xf32, #tpu.memory_space<smem>>
    } else {
    }
    %slice3A_129 = vector.extract_strided_slice %dot_general3A_5 {offsets = [624, 0], sizes = [201, 3200], strides = [1, 1]} : vector<832x3200xf32> to vector<201x3200xf32>
    %swap3A_130 = arith.constant 3 : index
    %swap3A_131 = arith.constant 0 : index
    %swap3A_132 = arith.constant 0 : index
    %swap3A_133 = vector.load %arg4[%swap3A_130, %swap3A_131, %swap3A_132] : memref<4x201x3200xf32, #tpu.memory_space<vmem>>, vector<1x201x3200xf32>
    %swap3A_134 = vector.shape_cast %swap3A_133 : vector<1x201x3200xf32> to vector<201x3200xf32>
    %swap3A_135 = vector.shape_cast %slice3A_129 : vector<201x3200xf32> to vector<1x201x3200xf32>
    tpu.vector_store %arg4[%swap3A_130, %swap3A_131, %swap3A_132], %swap3A_135 {strides = array<i32>} : memref<4x201x3200xf32, #tpu.memory_space<vmem>>, vector<1x201x3200xf32>,
    %slice3A_136 = vector.extract_strided_slice %dot_general3A_5 {offsets = [824, 0], sizes = [1, 3200], strides = [1, 1]} : vector<832x3200xf32> to vector<1x3200xf32>
    %squeeze3A_137 = vector.shape_cast %slice3A_136 : vector<1x3200xf32> to vector<3200xf32>
    %reduce_max3A_138 = vector.shape_cast %squeeze3A_137 : vector<3200xf32> to vector<1x3200xf32>
    %reduce_max3A_139 = arith.constant dense<0xFF800000> : vector<1xf32>
    %reduce_max3A_140 = vector.multi_reduction <maximumf>, %reduce_max3A_138, %reduce_max3A_139 [1] : vector<1x3200xf32> to vector<1xf32>
    %reduce_max3A_141 = vector.shape_cast %reduce_max3A_140 : vector<1xf32> to vector<1x1xf32>
    %reduce_max3A_142 = vector.extract %reduce_max3A_141[0, 0] : f32 from vector<1x1xf32>
    %get3A_143 = arith.constant 3 : index
    %get3A_144 = memref.load %arg1[%get3A_143] : memref<4xi32, #tpu.memory_space<smem>>
    %mul3A_145 = arith.constant 3200 : i32
    %mul3A_146 = arith.muli %arg0, %mul3A_145 : i32
    %sub3A_147 = arith.subi %get3A_144, %mul3A_146 : i32
    %ge3A_148 = arith.constant 0 : i32
    %ge3A_149 = arith.cmpi sge, %sub3A_147, %ge3A_148 : i32
    %lt3A_150 = arith.constant 3200 : i32
    %lt3A_151 = arith.cmpi slt, %sub3A_147, %lt3A_150 : i32
    %and3A_152 = arith.andi %ge3A_149, %lt3A_151 : i1
    %eq3A_153 = vector.broadcast %sub3A_147 : i32 to vector<3200xi32>
    %eq3A_154 = arith.cmpi eq, %iota3A_6, %eq3A_153 : vector<3200xi32>
    %jit3A_155 = arith.constant 0.000000e+00 : f32
    %broadcast_in_dim3A_156 = vector.broadcast %jit3A_155 : f32 to vector<3200xf32>
    %select_n3A_157 = arith.select %eq3A_154, %squeeze3A_137, %broadcast_in_dim3A_156 : vector<3200xi1>, vector<3200xf32>
    %reduce_sum3A_158 = vector.shape_cast %select_n3A_157 : vector<3200xf32> to vector<1x3200xf32>
    %reduce_sum3A_159 = arith.constant dense<0.000000e+00> : vector<1xf32>
    %reduce_sum3A_160 = vector.multi_reduction <add>, %reduce_sum3A_158, %reduce_sum3A_159 [1] : vector<1x3200xf32> to vector<1xf32>
    %reduce_sum3A_161 = vector.shape_cast %reduce_sum3A_160 : vector<1xf32> to vector<1x1xf32>
    %reduce_sum3A_162 = vector.extract %reduce_sum3A_161[0, 0] : f32 from vector<1x1xf32>
    %jit3A_163 = arith.constant 0.000000e+00 : f32
    %select_n3A_164 = arith.select %and3A_152, %reduce_sum3A_162, %jit3A_163 : f32
    %eq3A_165 = arith.constant 0 : i32
    %eq3A_166 = arith.cmpi eq, %arg0, %eq3A_165 : i32
    %convert_element_type3A_167 = arith.extui %eq3A_166 : i1 to i32
    %cond3A_168 = arith.constant 0 : i32
    %cond3A_169 = arith.cmpi ne, %convert_element_type3A_167, %cond3A_168 : i32
    scf.if %cond3A_169 {
      %swap3A_180 = arith.constant 3 : index
      %swap3A_181 = memref.load %arg6[%swap3A_180] : memref<4xf32, #tpu.memory_space<smem>>
      memref.store %reduce_max3A_142, %arg6[%swap3A_180] : memref<4xf32, #tpu.memory_space<smem>>
      %sub3A_182 = vector.broadcast %reduce_max3A_142 : f32 to vector<3200xf32>
      %sub3A_183 = arith.subf %squeeze3A_137, %sub3A_182 : vector<3200xf32>
      %exp3A = math.exp %sub3A_183 : vector<3200xf32>
      %reduce_sum3A_184 = vector.shape_cast %exp3A : vector<3200xf32> to vector<1x3200xf32>
      %reduce_sum3A_185 = arith.constant dense<0.000000e+00> : vector<1xf32>
      %reduce_sum3A_186 = vector.multi_reduction <add>, %reduce_sum3A_184, %reduce_sum3A_185 [1] : vector<1x3200xf32> to vector<1xf32>
      %reduce_sum3A_187 = vector.shape_cast %reduce_sum3A_186 : vector<1xf32> to vector<1x1xf32>
      %reduce_sum3A_188 = vector.extract %reduce_sum3A_187[0, 0] : f32 from vector<1x1xf32>
      %swap3A_189 = arith.constant 3 : index
      %swap3A_190 = memref.load %arg7[%swap3A_189] : memref<4xf32, #tpu.memory_space<smem>>
      memref.store %reduce_sum3A_188, %arg7[%swap3A_189] : memref<4xf32, #tpu.memory_space<smem>>
      %swap3A_191 = arith.constant 3 : index
      %swap3A_192 = memref.load %arg8[%swap3A_191] : memref<4xf32, #tpu.memory_space<smem>>
      memref.store %select_n3A_164, %arg8[%swap3A_191] : memref<4xf32, #tpu.memory_space<smem>>
    } else {
    }
    %gt3A_170 = arith.constant 0 : i32
    %gt3A_171 = arith.cmpi sgt, %arg0, %gt3A_170 : i32
    %convert_element_type3A_172 = arith.extui %gt3A_171 : i1 to i32
    %cond3A_173 = arith.constant 0 : i32
    %cond3A_174 = arith.cmpi ne, %convert_element_type3A_172, %cond3A_173 : i32
    scf.if %cond3A_174 {
      %get3A_180 = arith.constant 3 : index
      %get3A_181 = memref.load %arg6[%get3A_180] : memref<4xf32, #tpu.memory_space<smem>>
      %max3A = arith.maximumf %get3A_181, %reduce_max3A_142 : f32
      %swap3A_182 = arith.constant 3 : index
      %swap3A_183 = memref.load %arg6[%swap3A_182] : memref<4xf32, #tpu.memory_space<smem>>
      memref.store %max3A, %arg6[%swap3A_182] : memref<4xf32, #tpu.memory_space<smem>>
      %get3A_184 = arith.constant 3 : index
      %get3A_185 = memref.load %arg7[%get3A_184] : memref<4xf32, #tpu.memory_space<smem>>
      %sub3A_186 = arith.subf %get3A_181, %max3A : f32
      %exp3A = math.exp %sub3A_186 : f32
      %mul3A_187 = arith.mulf %get3A_185, %exp3A : f32
      %sub3A_188 = vector.broadcast %max3A : f32 to vector<3200xf32>
      %sub3A_189 = arith.subf %squeeze3A_137, %sub3A_188 : vector<3200xf32>
      %exp3A_190 = math.exp %sub3A_189 : vector<3200xf32>
      %reduce_sum3A_191 = vector.shape_cast %exp3A_190 : vector<3200xf32> to vector<1x3200xf32>
      %reduce_sum3A_192 = arith.constant dense<0.000000e+00> : vector<1xf32>
      %reduce_sum3A_193 = vector.multi_reduction <add>, %reduce_sum3A_191, %reduce_sum3A_192 [1] : vector<1x3200xf32> to vector<1xf32>
      %reduce_sum3A_194 = vector.shape_cast %reduce_sum3A_193 : vector<1xf32> to vector<1x1xf32>
      %reduce_sum3A_195 = vector.extract %reduce_sum3A_194[0, 0] : f32 from vector<1x1xf32>
      %add3A = arith.addf %mul3A_187, %reduce_sum3A_195 : f32
      %swap3A_196 = arith.constant 3 : index
      %swap3A_197 = memref.load %arg7[%swap3A_196] : memref<4xf32, #tpu.memory_space<smem>>
      memref.store %add3A, %arg7[%swap3A_196] : memref<4xf32, #tpu.memory_space<smem>>
      %get3A_198 = arith.constant 3 : index
      %get3A_199 = memref.load %arg8[%get3A_198] : memref<4xf32, #tpu.memory_space<smem>>
      %add3A_200 = arith.addf %get3A_199, %select_n3A_164 : f32
      %swap3A_201 = arith.constant 3 : index
      %swap3A_202 = memref.load %arg8[%swap3A_201] : memref<4xf32, #tpu.memory_space<smem>>
      memref.store %add3A_200, %arg8[%swap3A_201] : memref<4xf32, #tpu.memory_space<smem>>
    } else {
    }
    %eq3A_175 = arith.constant 9 : i32
    %eq3A_176 = arith.cmpi eq, %arg0, %eq3A_175 : i32
    %convert_element_type3A_177 = arith.extui %eq3A_176 : i1 to i32
    %cond3A_178 = arith.constant 0 : i32
    %cond3A_179 = arith.cmpi ne, %convert_element_type3A_177, %cond3A_178 : i32
    scf.if %cond3A_179 {
      %get3A_180 = arith.constant 0 : index
      %get3A_181 = memref.load %arg7[%get3A_180] : memref<4xf32, #tpu.memory_space<smem>>
      %log3A = math.log %get3A_181 : f32
      %get3A_182 = arith.constant 0 : index
      %get3A_183 = memref.load %arg6[%get3A_182] : memref<4xf32, #tpu.memory_space<smem>>
      %add3A = arith.addf %log3A, %get3A_183 : f32
      %get3A_184 = arith.constant 0 : index
      %get3A_185 = memref.load %arg8[%get3A_184] : memref<4xf32, #tpu.memory_space<smem>>
      %sub3A_186 = arith.subf %add3A, %get3A_185 : f32
      %add3A_187 = arith.constant 0.000000e+00 : f32
      %add3A_188 = arith.addf %add3A_187, %sub3A_186 : f32
      %get3A_189 = arith.constant 1 : index
      %get3A_190 = memref.load %arg7[%get3A_189] : memref<4xf32, #tpu.memory_space<smem>>
      %log3A_191 = math.log %get3A_190 : f32
      %get3A_192 = arith.constant 1 : index
      %get3A_193 = memref.load %arg6[%get3A_192] : memref<4xf32, #tpu.memory_space<smem>>
      %add3A_194 = arith.addf %log3A_191, %get3A_193 : f32
      %get3A_195 = arith.constant 1 : index
      %get3A_196 = memref.load %arg8[%get3A_195] : memref<4xf32, #tpu.memory_space<smem>>
      %sub3A_197 = arith.subf %add3A_194, %get3A_196 : f32
      %add3A_198 = arith.addf %add3A_188, %sub3A_197 : f32
      %get3A_199 = arith.constant 2 : index
      %get3A_200 = memref.load %arg7[%get3A_199] : memref<4xf32, #tpu.memory_space<smem>>
      %log3A_201 = math.log %get3A_200 : f32
      %get3A_202 = arith.constant 2 : index
      %get3A_203 = memref.load %arg6[%get3A_202] : memref<4xf32, #tpu.memory_space<smem>>
      %add3A_204 = arith.addf %log3A_201, %get3A_203 : f32
      %get3A_205 = arith.constant 2 : index
      %get3A_206 = memref.load %arg8[%get3A_205] : memref<4xf32, #tpu.memory_space<smem>>
      %sub3A_207 = arith.subf %add3A_204, %get3A_206 : f32
      %add3A_208 = arith.addf %add3A_198, %sub3A_207 : f32
      %get3A_209 = arith.constant 3 : index
      %get3A_210 = memref.load %arg7[%get3A_209] : memref<4xf32, #tpu.memory_space<smem>>
      %log3A_211 = math.log %get3A_210 : f32
      %get3A_212 = arith.constant 3 : index
      %get3A_213 = memref.load %arg6[%get3A_212] : memref<4xf32, #tpu.memory_space<smem>>
      %add3A_214 = arith.addf %log3A_211, %get3A_213 : f32
      %get3A_215 = arith.constant 3 : index
      %get3A_216 = memref.load %arg8[%get3A_215] : memref<4xf32, #tpu.memory_space<smem>>
      %sub3A_217 = arith.subf %add3A_214, %get3A_216 : f32
      %add3A_218 = arith.addf %add3A_208, %sub3A_217 : f32
      %div3A = arith.constant 4.000000e+00 : f32
      %div3A_219 = arith.divf %add3A_218, %div3A : f32
      %swap3A_220 = arith.constant 0 : index
      %swap3A_221 = arith.constant 0 : index
      %swap3A_222 = memref.load %arg5[%swap3A_220, %swap3A_221] : memref<1x1xf32, #tpu.memory_space<smem>>
      memref.store %div3A_219, %arg5[%swap3A_220, %swap3A_221] : memref<1x1xf32, #tpu.memory_space<smem>>
    } else {
    }
    return
  }
  func.func @transform_0(%arg0: i32) -> i32 {
    %c0_i32 = arith.constant 0 : i32
    %c0_i32_0 = arith.constant 0 : i32
    return %c0_i32 : i32
  }
  func.func @transform_1(%arg0: i32) -> (i32, i32) {
    %c0_i32 = arith.constant 0 : i32
    %c0_i32_0 = arith.constant 0 : i32
    %c0_i32_1 = arith.constant 0 : i32
    return %c0_i32, %c0_i32_0 : i32, i32
  }
  func.func @transform_2(%arg0: i32) -> (i32, i32) {
    %c0_i32 = arith.constant 0 : i32
    %c0_i32_0 = arith.constant 0 : i32
    return %c0_i32, %arg0 : i32, i32
  }
  func.func @transform_3(%arg0: i32) -> (i32, i32, i32) {
    %c0_i32 = arith.constant 0 : i32
    %c0_i32_0 = arith.constant 0 : i32
    %c0_i32_1 = arith.constant 0 : i32
    return %c0_i32, %c0_i32_0, %arg0 : i32, i32, i32
  }
  func.func @transform_4(%arg0: i32) -> (i32, i32) {
    %c0_i32 = arith.constant 0 : i32
    %c0_i32_0 = arith.constant 0 : i32
    %c0_i32_1 = arith.constant 0 : i32
    return %c0_i32, %c0_i32_0 : i32, i32
  }
}

</mosaic_0001>

<sc_bundles>
// kernel: kernel.5.cloned.1.call-start
scs
__scs_entry_jumppad:
0x0: {  	(pc) =	sbr.rel $0x88, $3  }
0x1: {  	(tag) =	ssettag $0x0;
	lr =	simm.s32 $0x1  }
0x2: {  	[smem:$0x3F96] =	sst lr;
	_ =	strace $0xD0000000  }
0x3: {  	_ = 	snop  }
0x4: {  	_ = 	snop  }
0x5: {  	_ = 	snop  }
0x6: {  	_ = 	snop  }
0x7: {  	_ = 	snop  }
__scs_overlays_trampoline_lowered:
0x8: {  	[smem:$0x3FA5] =	sst s0  }
0x9: {  	[smem:$0x3FA6] =	sst s1  }
0xa: {  	[smem:$0x3FA7] =	sst s2  }
0xb: {  	[smem:$0x3FA8] =	sst s3  }
0xc: {  	[smem:$0x3FA9] =	sst s4  }
0xd: {  	[smem:$0x3FAA] =	sst s5  }
0xe: {  	[smem:$0x3FAB] =	sst s6  }
0xf: {  	[smem:$0x3FAC] =	sst s7  }
0x10: {  	[smem:$0x3FAD] =	sst s8  }
0x11: {  	[smem:$0x3FAE] =	sst s9;
	s0 =	simm.s32 @!p0 $0x0  }
0x12: {  	s1 =	sld [smem:$0x3F94];
	s0 =	simm.s32 @p0 $0x1  }
0x13: {  	[smem:$0x3FAF] =	sst s0;
	s0 =	simm.s32 @!p1 $0x0  }
0x14: {  	s2 =	sld [smem:$0x3F93];
	s0 =	simm.s32 @p1 $0x1  }
0x15: {  	[smem:$0x3FB0] =	sst s0;
	s0 =	simm.s32 @!p2 $0x0  }
0x16: {  	s3 =	sld [smem:$0x3FDB];
	s0 =	simm.s32 @p2 $0x1  }
0x17: {  	s4 =	simm.s32 $0x1BF5;
	[smem:$0x3FB2] =	sst s0  }
0x18: {  	s0 =	sld [smem:$0x3F95];
	_ =	swait.ge [sflag:s4], $0x0  }
0x19: {  	s7 =	sld [smem:$0x3F96]  }
0x1a: {  	s8 =	sadd.s32 $0xFFFFE003, lr  }
0x1b: {  	s9 =	sadd.s32 $0xFFFFFEF7, lr;
	s5 =	simm.s32 $0xFFFFFFFF;
	p2 =	slt.u32 s8, $0xFFFFF086  }
0x1c: {  	p1 =	slt.u32 s9, $0xF7A;
	s5 =	simm.s32 @!p2 $0x0  }
0x1d: {  	s5 =	simm.s32 @p1 $0x1;
	p0 =	seq.s32 s7, s2  }
0x1e: {  	s7 =	smul.u32 @!p0 $0xF7A, s2;
	p2 =	seq.s32 @!p0 s5, $0x0  }
0x1f: {  	s9 =	smul.u32 $0xF7A, s1;
	s8 =	simm.s32 @!p0 $0x1BF5;
	p2 =	por !p2, p0  }
0x20: {  	[sflag:s8] =	ssyncset.s32 @!p0 $0xFFFFF086;
	s6 =	sadd.s32 @!p0 s3, s7;
	s7 =	simm.s32 @!p0 $0x108  }
0x21: {  	s3 =	sadd.s32 s3, s9;
	s6 =	sadd.s32 @!p0 $0x88, s6;
	s7 =	simm.s32 @p2 $0x1082  }
0x22: {  	[simem:s7], [sflag:s8] =	dma.local @!p0 [hbm:s6], $0xF7A  }
0x23: {  	s9 =	sor.u32 $0xD0000000, s2;
	s6 =	simm.s32 $0x108;
	_ =	swait.ge @!p0 [sflag:s8], $0x0  }
0x24: {  	s3 =	sadd.s32 $0x88, s3;
	s6 =	simm.s32 @!p1 $0x1082;
	[sflag:s4] =	ssyncset.s32 $0xFFFFF086  }
0x25: {  	[simem:s6], [sflag:s4] =	dma.local [hbm:s3], $0xF7A  }
0x26: {  	[smem:$0x3F96] =	sst s1;
	(tag) =	ssettag s2;
	_ =	strace s9  }
0x27: {  	s1 =	sld [smem:$0x3FA6]  }
0x28: {  	s2 =	sld [smem:$0x3FA7]  }
0x29: {  	s4 =	sld [smem:$0x3FA9]  }
0x2a: {  	p0 =	seq.s32 s5, $0x0;
	s5 =	sld [smem:$0x3FAA]  }
0x2b: {  	s6 =	sld [smem:$0x3FAB]  }
0x2c: {  	s7 =	sld [smem:$0x3FAC]  }
0x2d: {  	s3 =	simm.s32 $0x108;
	s8 =	sld [smem:$0x3FAD]  }
0x2e: {  	s3 =	simm.s32 @!p0 $0x1082;
	s9 =	sld [smem:$0x3FAE]  }
0x2f: {  	lr =	sadd.s32 s0, s3;
	s0 =	sld [smem:$0x3FA5]  }
0x30: {  	s3 =	sld [smem:$0x3FA8]  }
0x31: {  	[smem:$0x3FB1] =	sst s10  }
0x32: {  	s10 =	sld [smem:$0x3FAF];
	_ =	sdelay $0x3  }
0x33: {  	p0 =	seq.s32 s10, $0x1;
	s10 =	sld [smem:$0x3FB1];
	_ =	sdelay $0x3  }
0x34: {  	[smem:$0x3FB1] =	sst s10  }
0x35: {  	s10 =	sld [smem:$0x3FB0];
	_ =	sdelay $0x3  }
0x36: {  	p1 =	seq.s32 s10, $0x1;
	s10 =	sld [smem:$0x3FB1];
	_ =	sdelay $0x3  }
0x37: {  	[smem:$0x3FB1] =	sst s10  }
0x38: {  	s10 =	sld [smem:$0x3FB2]  }
0x39: {  	_ = 	snop;
	(pc) =	sbr.ind lr, $3  }
0x3a: {  	_ = 	snop  }
0x3b: {  	_ = 	snop  }
0x3c: {  	p2 =	seq.s32 s10, $0x1;
	s10 =	sld [smem:$0x3FB1]  }
0x3d: {  	_ =	shalt  }
0x3e: {  	_ =	shalt  }
0x3f: {  	_ =	shalt  }
0x40: {  	_ =	shalt  }
0x41: {  	_ =	shalt  }
0x42: {  	_ =	shalt  }
0x43: {  	_ =	shalt  }
0x44: {  	_ =	shalt  }
0x45: {  	_ =	shalt  }
0x46: {  	_ =	shalt  }
0x47: {  	_ =	shalt  }
0x48: {  	_ =	shalt  }
0x49: {  	_ =	shalt  }
0x4a: {  	_ =	shalt  }
0x4b: {  	_ =	shalt  }
0x4c: {  	_ =	shalt  }
0x4d: {  	_ =	shalt  }
0x4e: {  	_ =	shalt  }
0x4f: {  	_ =	shalt  }
0x50: {  	_ =	shalt  }
0x51: {  	_ =	shalt  }
0x52: {  	_ =	shalt  }
0x53: {  	_ =	shalt  }
0x54: {  	_ =	shalt  }
0x55: {  	_ =	shalt  }
0x56: {  	_ =	shalt  }
0x57: {  	_ =	shalt  }
0x58: {  	_ =	shalt  }
0x59: {  	_ =	shalt  }
0x5a: {  	_ =	shalt  }
0x5b: {  	_ =	shalt  }
0x5c: {  	_ =	shalt  }
0x5d: {  	_ =	shalt  }
0x5e: {  	_ =	shalt  }
0x5f: {  	_ =	shalt  }
0x60: {  	_ =	shalt  }
0x61: {  	_ =	shalt  }
0x62: {  	_ =	shalt  }
0x63: {  	_ =	shalt  }
0x64: {  	_ =	shalt  }
0x65: {  	_ =	shalt  }
0x66: {  	_ =	shalt  }
0x67: {  	_ =	shalt  }
0x68: {  	_ =	shalt  }
0x69: {  	_ =	shalt  }
0x6a: {  	_ =	shalt  }
0x6b: {  	_ =	shalt  }
0x6c: {  	_ =	shalt  }
0x6d: {  	_ =	shalt  }
0x6e: {  	_ =	shalt  }
0x6f: {  	_ =	shalt  }
0x70: {  	_ =	shalt  }
0x71: {  	_ =	shalt  }
0x72: {  	_ =	shalt  }
0x73: {  	_ =	shalt  }
0x74: {  	_ =	shalt  }
0x75: {  	_ =	shalt  }
0x76: {  	_ =	shalt  }
0x77: {  	_ =	shalt  }
0x78: {  	_ =	shalt  }
0x79: {  	_ =	shalt  }
0x7a: {  	_ =	shalt  }
0x7b: {  	_ =	shalt  }
0x7c: {  	_ =	shalt  }
0x7d: {  	_ =	shalt  }
0x7e: {  	_ =	shalt  }
0x7f: {  	_ =	shalt  }
0x80: {  	_ =	shalt  }
0x81: {  	_ =	shalt  }
0x82: {  	_ =	shalt  }
0x83: {  	_ =	shalt  }
0x84: {  	_ =	shalt  }
0x85: {  	_ =	shalt  }
0x86: {  	_ =	shalt  }
0x87: {  	_ =	shalt  }
.Lfunc_end0:
.L_simem_size_0:
called_computation_lowered:
.L_overlay_start_0:
0x88: {  	s2 =	sld [smem:$0x3FD9]  }
0x89: {  	s3 =	sld [smem:$0x3FFE];
	_ =	sdelay $0x1  }
0x8a: {  	s1 =	srdreg.scid  }
0x8b: {  	s0 =	sand.u32 $0x1, s1  }
0x8c: {  	s14 =	sshll.u32 s0, $0xA;
	s2 =	sadd.s32 s3, s2  }
0x8d: {  	s2 =	sadd.s32 s2, s14  }
0x8e: {  	[smem:$0x3FBD] =	sst s2  }
0x8f: {  	_ = 	snop  }
0x90: {  	s2 =	sld [smem:$0x3FD0];
	_ =	sdelay $0x2  }
0x91: {  	s4 =	simm.s32 $0xA;
	s5 =	simm.s32 $0x10;
	s15 =	sld [smem:$0x3FC5]  }
0x92: {  	[smem:s5], [sflag:s4] =	dma.local [hbm:s2], $0x1  }
0x93: {  	_ =	swait.eq [sflag:s4], $0x1  }
0x94: {  	[sflag:s4] =	ssyncset.done $0x0  }
0x95: {  	[sflag:s4] =	ssyncadd.s32 $0xFFFFFFFF  }
0x96: {  	s16 =	sld [smem:$0x11];
	(tm) =	ssettm $0x1  }
0x97: {  	s17 =	sld [smem:$0x3FFB];
	_ =	sdelay $0x3  }
0x98: {  	_ =	strace s17  }
0x99: {  	s4 =	sld [smem:$0x3FFC];
	_ =	sdelay $0x3  }
0x9a: {  	_ =	strace s4  }
0x9b: {  	s4 =	sld [smem:$0x3FFD];
	_ =	sdelay $0x3  }
0x9c: {  	_ =	strace s4  }
0x9d: {  	_ =	strace $0x8FFFFFFF  }
0x9e: {  	s18 =	sld [smem:$0x3FDB];
	_ =	sdelay $0x1  }
0x9f: {  	s19 =	simm.s32 $_scs_section_size  }
0xa0: {  	s6 =	simm.s32 $_size__tile_overlayer_lowered;
	s7 =	simm.s32 $_tile_overlayer_lowered  }
0xa1: {  	s22 =	simm.s32 $0x1BFF;
	s21 =	sshll.u32 s7, $0x1;
	s4 =	sadd.s32 s19, s18  }
0xa2: {  	s8 =	simm.s32 $0x0;
	s20 =	sshll.u32 s6, $0x1;
	s6 =	sadd.s32 s21, s4  }
0xa3: {  	[timem:s8], [sflag:s22] =	dma.local [hbm:s6], s20  }
0xa4: {  	_ =	swait.ge [sflag:s22], s20  }
0xa5: {  	s5 =	ssub.s32 $0x0, s20;
	[sflag:s22] =	ssyncset.done $0x0  }
0xa6: {  	[sflag:s22] =	ssyncadd.s32 s5;
	_ =	sdelay $0x1  }
0xa7: {  	s23 =	simm.s32 $0x1B8B  }
0xa8: {  	_ =	swait.ge [sflag:s23], $0x1  }
0xa9: {  	[sflag:s23] =	ssyncset.done $0x0  }
0xaa: {  	s25 =	simm.s32 $0x1B8E;
	s24 =	sld [smem:$0x3FFE];
	[sflag:s23] =	ssyncadd.s32 $0xFFFFFFFF  }
0xab: {  	s26 =	simm.s32 $execute0_lowered;
	[smem:$0x3FD2] =	sst s25  }
0xac: {  	s6 =	sshll.u32 s26, $0x1;
	_ =	strace $0x80000046;
	[dreg:$0x1] =	wrdreg $0xFFFFFFFF  }
0xad: {  	s28 =	simm.s32 $_size_execute0_lowered;
	s4 =	sadd.s32 s4, s6;
	[dreg:$0x0] =	wrdreg $0x0  }
0xae: {  	s6 =	sshll.u32 s28, $0x1;
	[dreg:$0x2] =	wrdreg s4  }
0xaf: {  	[dreg:$0x3] =	wrdreg s6  }
0xb0: {  	[dreg:$0x4] =	wrdreg $0xC0  }
0xb1: {  	_ =	task [dreg:s8], $0x5FFFF  }
0xb2: {  	[dreg:$0x1] =	wrdreg $0xFFFFFFFF  }
0xb3: {  	[dreg:$0x0] =	wrdreg $0x60  }
0xb4: {  	[dreg:$0x2] =	wrdreg s15  }
0xb5: {  	[dreg:$0x3] =	wrdreg s16  }
0xb6: {  	[dreg:$0x4] =	wrdreg s24  }
0xb7: {  	[dreg:$0x5] =	wrdreg $0x9  }
0xb8: {  	_ =	task.clear_ibuf [dreg:s8], $0x6FFFF;
	_ =	strace $0x90000046  }
0xb9: {  	s29 =	simm.s32 $0x9;
	_ =	strace $0x80000048  }
0xba: {  	_ =	swait.ge [sflag:s29], $0x1  }
0xbb: {  	[sflag:s29] =	ssyncadd.s32 $0xFFFFFFFF  }
0xbc: {  	_ =	strace $0x90000048  }
0xbd: {  	_ =	sfence  }
0xbe: {  	s30 =	sld [smem:$0x0];
	_ =	sdelay $0x2  }
0xbf: {  	s31 =	sshll.u32 s1, $0xD;
	s1 =	sshrl.u32 s1, $0x2  }
0xc0: {  	s3 =	sand.u32 $0x4000, s31;
	s1 =	sadd.s32 s1, s30  }
0xc1: {  	s0 =	sor.u32 s3, s0;
	s1 =	sshll.u32 s1, $0x11  }
0xc2: {  	s0 =	sor.u32 s1, s0  }
0xc3: {  	s0 =	sadd.s32 $0x8F2B, s0  }
0xc4: {  	[sflag:s0] =	ssyncadd.remote.s32 $0x1  }
0xc5: {  	_ =	sfence.sel $0xFFFF  }
0xc6: {  	[dreg:$0x0] =	wrdreg $0xFFFFFFFF;
	(pc) =	sbr.abs _section_cstart, $3  }
0xc7: {  	[dreg:$0x1] =	wrdreg $0xFFFFFFFF  }
0xc8: {  	_ =	task.clear_ibuf [dreg:s8], $0x2FFFF;
	_ =	strace $0x9FFFFFFF  }
0xc9: {  	(tm) =	ssettm $0x7FFFFFFF  }
tec
execute0_lowered:
.L_overlay_start_1:
0x0: {  	(tag) =	ssettag $0x1  }
0x1: {  	s0 =	srdreg.scid  }
0x2: {  	s12 =	sand.u32 $0x1, s0;
	s0 =	stileid.u32  }
0x3: {  	s4 =	sshll.u32 s0, $0x1;
	s5 =	ssub.s32 $0x0, s12  }
0x4: {  	p0 =	sne.s32 s4, s5  }
.Ltmp0:
0x5: {  	_ = 	snop;
	(pc) =	sbr.rel @p0 .LBB2_4-.Ltmp0, $4  }
0x6: {  	s2 =	rddreg [dreg:$0x0]  }
0x7: {  	s3 =	rddreg [dreg:$0x1]  }
0x8: {  	s14 =	rddreg [dreg:$0x2]  }
0x9: {  	s1 =	rddreg [dreg:$0x3];
	_ =	strace $0x80000047  }
0xa: {  	s5 =	simm.s32 $0x0;
	s4 =	simm.s32 $0x2  }
0xb: {  	[tilespmem:s5], [sflag:$0x2] =	stream.linear.gather [hbm4b:s3+s5], $0x80, $0x38;
	[tilespmem:$0x2080] =	vst v63  }
0xc: {  	_ =	swait.ge [sflag:s4], $0x80  }
0xd: {  	[sflag:s4] =	ssyncset.done $0x0  }
0xe: {  	[sflag:s4] =	ssyncadd.s32 $0xFFFFFF80  }
0xf: {  	v0 =	vld.msk [tilespmem:$0x0], $0xff;
	_ =	sdelay $0x4  }
0x10: {  	v1 =	vshll.u32 v0, $0x3  }
0x11: {  	v2 =	vlaneseq.u32;
	v3 =	vand.u32 $0x7, v0;
	v1 =	vand.u32 $0xFFFFFFC0, v1  }
0x12: {  	v0 =	vand.u32 $0x7, v2;
	v2 =	vshrl.u32 v2, $0x3;
	v3 =	vor.u32 v3, v1  }
0x13: {  	v1 =	vmul.u32 $0x8, v2;
	v2 =	vperm.xlane v3, v0;
	_ =	sdelay $0x1  }
0x14: {  	v2 =	vadd.s32 v1, v2;
	_ =	sdelay $0x3  }
0x15: {  	vm0 =	vmmov $0xffff;
	s6 =	simm.s32 $0x80;
	s7 =	sadd.s32 $0x100, s2;
	s15 =	ssub.s32 $0x2, s12  }
0x16: {  	[tilespmem:s6], [sflag:$0x1] =	stream.indirect_vreg.gather [hbm4b:s2+s5], $0x80, v2, vm0, $0xb8;
	[tilespmem:$0x2080] =	vst v63  }
0x17: {  	s8 =	simm.s32 $0x880;
	s9 =	sadd.s32 $0x200, s2;
	s16 =	sshrl.u32 s15, $0x1  }
0x18: {  	[tilespmem:s8], [sflag:$0x1] =	stream.indirect_vreg.gather [hbm4b:s7+s5], $0x80, v2, vm0, $0xb8;
	[tilespmem:$0x2080] =	vst v63  }
0x19: {  	s10 =	sadd.s32 $0x300, s2;
	s11 =	simm.s32 $0x1080;
	s15 =	ssub.s32 s15, s16  }
0x1a: {  	[tilespmem:s11], [sflag:$0x1] =	stream.indirect_vreg.gather [hbm4b:s9+s5], $0x80, v2, vm0, $0xb8;
	[tilespmem:$0x2080] =	vst v63  }
0x1b: {  	s12 =	simm.s32 $0x1880;
	s13 =	simm.s32 $0x1;
	s15 =	smax.u32 s15, $0x1  }
0x1c: {  	[tilespmem:s12], [sflag:$0x1] =	stream.indirect_vreg.gather [hbm4b:s10+s5], $0x80, v2, vm0, $0xb8;
	[tilespmem:$0x2080] =	vst v63  }
0x1d: {  	p0 =	sne.s32 s15, $0x1;
	_ =	swait.ge [sflag:s13], $0x2000  }
.Ltmp1:
0x1e: {  	[sflag:s13] =	ssyncset.done $0x0;
	(pc) =	sbr.rel @!p0 .LBB2_3-.Ltmp1, $4  }
0x1f: {  	s14 =	sadd.s32 $0x800, s14;
	[sflag:s13] =	ssyncadd.s32 $0xFFFFE000  }
0x20: {  	[hbm4b:s14+s5] =	stream.linear.scatter [tilespmem:s6], [sflag:$0x2], $0x2000, $0x38;
	[tilespmem:$0x2080] =	vst v63  }
0x21: {  	_ =	swait.ge [sflag:s4], $0x2000  }
0x22: {  	s15 =	sadd.s32 $0xFFFFFFFF, s15;
	[sflag:s4] =	ssyncset.done $0x0  }
.LBB2_2:
0x23: {  	p0 =	sne.s32 s15, $0x1;
	s15 =	sadd.s32 $0xFFFFFFFF, s15;
	[sflag:s4] =	ssyncadd.s32 $0xFFFFE000  }
0x24: {  	[tilespmem:s5], [sflag:$0x2] =	stream.linear.gather [hbm4b:s3+s5], $0x80, $0x38;
	[tilespmem:$0x2080] =	vst v63  }
0x25: {  	_ =	swait.ge [sflag:s4], $0x80  }
0x26: {  	[sflag:s4] =	ssyncset.done $0x0  }
0x27: {  	[sflag:s4] =	ssyncadd.s32 $0xFFFFFF80  }
0x28: {  	v2 =	vld.msk [tilespmem:$0x0], $0xff;
	_ =	sdelay $0x4  }
0x29: {  	v3 =	vshll.u32 v2, $0x3  }
0x2a: {  	v2 =	vand.u32 $0x7, v2;
	v3 =	vand.u32 $0xFFFFFFC0, v3  }
0x2b: {  	v2 =	vor.u32 v2, v3  }
0x2c: {  	v2 =	vperm.xlane v2, v0;
	_ =	sdelay $0x1  }
0x2d: {  	v2 =	vadd.s32 v1, v2;
	_ =	sdelay $0x4  }
0x2e: {  	[tilespmem:s6], [sflag:$0x1] =	stream.indirect_vreg.gather [hbm4b:s2+s5], $0x80, v2, vm0, $0xb8;
	[tilespmem:$0x2080] =	vst v63  }
0x2f: {  	_ = 	snop  }
0x30: {  	[tilespmem:s8], [sflag:$0x1] =	stream.indirect_vreg.gather [hbm4b:s7+s5], $0x80, v2, vm0, $0xb8;
	[tilespmem:$0x2080] =	vst v63  }
0x31: {  	_ = 	snop  }
0x32: {  	[tilespmem:s11], [sflag:$0x1] =	stream.indirect_vreg.gather [hbm4b:s9+s5], $0x80, v2, vm0, $0xb8;
	[tilespmem:$0x2080] =	vst v63  }
0x33: {  	_ = 	snop  }
0x34: {  	[tilespmem:s12], [sflag:$0x1] =	stream.indirect_vreg.gather [hbm4b:s10+s5], $0x80, v2, vm0, $0xb8;
	[tilespmem:$0x2080] =	vst v63  }
0x35: {  	_ =	swait.ge [sflag:s13], $0x2000  }
.Ltmp2:
0x36: {  	[sflag:s13] =	ssyncset.done $0x0;
	(pc) =	sbr.rel @p0 .LBB2_2-.Ltmp2, $4  }
0x37: {  	[sflag:s13] =	ssyncadd.s32 $0xFFFFE000  }
0x38: {  	[hbm4b:s14+s5] =	stream.linear.scatter [tilespmem:s6], [sflag:$0x2], $0x2000, $0x38;
	[tilespmem:$0x2080] =	vst v63  }
0x39: {  	_ =	swait.ge [sflag:s4], $0x2000  }
0x3a: {  	[sflag:s4] =	ssyncset.done $0x0  }
.LBB2_3:
0x3b: {  	[sflag:s4] =	ssyncadd.s32 $0xFFFFE000  }
.LBB2_4:
0x3c: {  	_ =	sfence.sel $0x180000  }
0x3d: {  	[bflag:$0x0] =	sbarrier.arrive $0xFFFF  }
0x3e: {  	p0 =	sne.s32 s0, $0x0;
	_ =	strace $0x90000047  }
0x3f: {  	s0 =	sadd.s32 @!p0 $0x100000, s1;
	[bflag:$0x2] =	sbarrier.arrive $0xFFFF  }
0x40: {  	[sflag:s0] =	ssyncadd.tile.s32 @!p0 $0x1;
	_ =	shalt  }
.Lfunc_end2:
_tile_overlayer_lowered:
.L_overlay_start_2:
0x41: {  	(tag) =	ssettag $0x2  }
0x42: {  	s0 =	rddreg [dreg:$0x0];
	s2 =	stileid.u32  }
0x43: {  	s1 =	rddreg [dreg:$0x1];
	p0 =	sne.s32 s2, $0x0  }
0x44: {  	s3 =	rddreg [dreg:$0x2];
	[bflag:$0x3] =	sbarrier.arrive $0xFFFF;
	s2 =	simm.s32 @!p0 $0x1C02  }
0x45: {  	[timem:s3], [sflag:s2] =	dma.local @!p0 [hbm:s0], s1  }
0x46: {  	s0 =	simm.s32 @!p0 $0x2  }
0x47: {  	_ =	swait.ge @!p0 [sflag:s0], s1  }
0x48: {  	s1 =	ssub.s32 @!p0 $0x0, s1;
	[sflag:s0] =	ssyncset.done @!p0 $0x0  }
0x49: {  	[sflag:s0] =	ssyncadd.s32 @!p0 s1  }
0x4a: {  	[bflag:$0x3] =	sbarrier.arrive $0xFFFF  }
0x4b: {  	_ =	shalt  }

</sc_bundles>
